<compile_context>
chip_gen: v7x
topology: tpu7x:2x2x1
jax: 0.10.2.dev20260603
libtpu: 0.0.44.dev20260713+nightly
codegen_flags: <defaults>
</compile_context>

<pallas_src>
import functools

import jax
import jax.numpy as jnp
from jax import lax
from jax.experimental import pallas as pl
from jax.experimental.pallas import tpu as pltpu
from jax.experimental.pallas import tpu_sc as plsc

NC = 2
NS = 16
NW = NC * NS
ECH = 128


def _sc_mesh():
    return plsc.VectorSubcoreMesh(core_axis_name="c", subcore_axis_name="s",
                                  num_cores=NC, num_subcores=NS)



@functools.lru_cache(maxsize=None)
def _deg_kernel(C: int, SH: int):
    rpt = SH // NS

    def body(dsts, zer1d, out, idx_d, hist_v, acc_v, tmp_v, hist_sh):
        c = lax.axis_index("c")
        s = lax.axis_index("s")
        wid = c * NS + s
        pltpu.sync_copy(dsts.at[wid], idx_d)
        pltpu.sync_copy(zer1d, hist_v)
        ones = jnp.ones((16,), jnp.float32)

        def step(j, carry):
            for l in range(ECH // 16):
                idx16 = idx_d[j, pl.ds(l * 16, 16)]
                plsc.addupdate_scatter(hist_v, [idx16], ones)
            return carry

        lax.fori_loop(0, C, step, 0)
        pltpu.sync_copy(hist_v, hist_sh.at[s])
        plsc.subcore_barrier()
        pltpu.sync_copy(hist_sh.at[0, pl.ds(s * rpt, rpt)], acc_v)
        for k in range(1, NS):
            pltpu.sync_copy(hist_sh.at[k, pl.ds(s * rpt, rpt)], tmp_v)

            def addchunk(m, carry):
                sl = pl.ds(m * 16, 16)
                acc_v[sl] = acc_v[sl] + tmp_v[sl]
                return carry

            lax.fori_loop(0, rpt // 16, addchunk, 0)
        pltpu.sync_copy(acc_v, out.at[pl.ds(c * SH + s * rpt, rpt)])

    return pl.kernel(
        body,
        out_type=jax.ShapeDtypeStruct((NC * SH,), jnp.float32),
        mesh=_sc_mesh(),
        scratch_types=[
            pltpu.VMEM((C, ECH), jnp.int32),
            pltpu.VMEM((SH,), jnp.float32),
            pltpu.VMEM((rpt,), jnp.float32),
            pltpu.VMEM((rpt,), jnp.float32),
            pltpu.VMEM_SHARED((NS, SH), jnp.float32),
        ],
        compiler_params=pltpu.CompilerParams(needs_layout_passes=False),
    )


@functools.lru_cache(maxsize=None)
def _agg_kernel(N: int, D: int, C: int, SH: int):
    rpt = SH // NS

    def body(hs, srcs, dsts, zer_hbm, out, idx_s, idx_d, rows, agg_sh):
        c = lax.axis_index("c")
        s = lax.axis_index("s")
        wid = c * NS + s
        pltpu.sync_copy(zer_hbm, agg_sh.at[pl.ds(s * rpt, rpt)])
        pltpu.sync_copy(srcs.at[wid], idx_s)
        pltpu.sync_copy(dsts.at[wid], idx_d)
        plsc.subcore_barrier()

        def step(j, carry):
            pltpu.sync_copy(hs.at[idx_s.at[j]], rows)
            pltpu.sync_copy(rows, agg_sh.at[idx_d.at[j]], add=True)
            return carry

        lax.fori_loop(0, C, step, 0)
        plsc.subcore_barrier()
        pltpu.sync_copy(agg_sh.at[pl.ds(s * rpt, rpt)],
                        out.at[c, pl.ds(s * rpt, rpt)])

    return pl.kernel(
        body,
        out_type=jax.ShapeDtypeStruct((NC, SH, D), jnp.float32),
        mesh=_sc_mesh(),
        scratch_types=[
            pltpu.VMEM((C, ECH), jnp.int32),
            pltpu.VMEM((C, ECH), jnp.int32),
            pltpu.VMEM((ECH, D), jnp.float32),
            pltpu.VMEM_SHARED((SH, D), jnp.float32),
        ],
    )



def _dinv(p0, p1):
    return lax.rsqrt(p0[:, 0:1] + p1[:, 0:1] + 1.0)


def _mm_scale_body(p0, p1, x, w, o):
    dinv = _dinv(p0[...], p1[...])
    h = jnp.dot(x[...], w[...], preferred_element_type=jnp.float32)
    o[...] = h * dinv


def _mid_body(p0, p1, hs, q0, q1, b, w, o):
    dinv = _dinv(p0[...], p1[...])
    t = (hs[...] + q0[...] + q1[...]) * dinv + b[...]
    t = jnp.maximum(t, 0.0)
    o[...] = jnp.dot(t, w[...], preferred_element_type=jnp.float32) * dinv


def _fin_body(p0, p1, hs, q0, q1, b, o):
    dinv = _dinv(p0[...], p1[...])
    o[...] = (hs[...] + q0[...] + q1[...]) * dinv + b[...]


def _row_spec(R, W):
    return pl.BlockSpec((R, W), lambda i: (i, 0))


def _full_spec(S):
    return pl.BlockSpec(S, lambda i: tuple(0 for _ in S))


def _tc_call(body, n_row_ins, has_bias, has_w, N, D, R):
    specs = [_row_spec(R, 16), _row_spec(R, 16)]
    specs += [_row_spec(R, D) for _ in range(n_row_ins)]
    if has_bias:
        specs.append(_full_spec((1, D)))
    if has_w:
        specs.append(_full_spec((D, D)))
    return pl.pallas_call(
        body,
        grid=(N // R,),
        in_specs=specs,
        out_specs=_row_spec(R, D),
        out_shape=jax.ShapeDtypeStruct((N, D), jnp.float32),
    )



def kernel(x, edge_index, W1, b1, W2, b2):
    N, D = x.shape
    E = edge_index.shape[1]
    C = -(-E // (NW * ECH))
    Ep = NW * ECH * C
    SH = (NS * 128) * (-(-(N + 1) // (NS * 128)))
    rpt = SH // NS
    R = next(r for r in (2048, 2000, 1024, 1000, 512, 500, 200, 8, 1)
             if N % r == 0 and r % 8 == 0)

    src = edge_index[0].astype(jnp.int32)
    dst = edge_index[1].astype(jnp.int32)
    padn = Ep - E
    srcs = jnp.concatenate([src, jnp.zeros((padn,), jnp.int32)]).reshape(NW, C, ECH)
    dsts = jnp.concatenate([dst, jnp.full((padn,), N, jnp.int32)]).reshape(NW, C, ECH)

    zerD = jnp.zeros((rpt, D), jnp.float32)
    zer1d = jnp.zeros((SH,), jnp.float32)

    deg1d = _deg_kernel(C, SH)(dsts, zer1d).reshape(NC, SH)
    p0 = jnp.pad(deg1d[0, :N, None], ((0, 0), (0, 15)))
    p1 = jnp.pad(deg1d[1, :N, None], ((0, 0), (0, 15)))

    agg = _agg_kernel(N, D, C, SH)
    b1r = b1.reshape(1, D)
    b2r = b2.reshape(1, D)

    hs1 = _tc_call(_mm_scale_body, 1, False, True, N, D, R)(p0, p1, x, W1)
    a1 = agg(hs1, srcs, dsts, zerD)
    hs2 = _tc_call(_mid_body, 3, True, True, N, D, R)(
        p0, p1, hs1, a1[0, :N], a1[1, :N], b1r, W2)
    a2 = agg(hs2, srcs, dsts, zerD)
    out = _tc_call(_fin_body, 3, True, False, N, D, R)(
        p0, p1, hs2, a2[0, :N], a2[1, :N], b2r)
    return out

# --- scband reference (transcript-rebuilt; emitter-appended) ---
"""Pipeline reference for scband-gcnbackbone-68676527063443 (READ-ONLY COPY).

The authoritative reference and input builder live on the scoring server;
editing this copy changes nothing except your own understanding.
"""

import jax, jax.numpy as jnp
import numpy as np

N = 10000
E = 320000
D = 128

def setup_inputs(seed: int = 0) -> dict:
    key = jax.random.key(seed)
    k1, k2, k3, k4, k5, k6 = jax.random.split(key, 6)
    x = jax.random.normal(k1, (N, D), dtype=jnp.float32)
    edge_index = jax.random.randint(k2, (2, E), 0, N)
    scale = 1.0 / np.sqrt(D)
    W1 = jax.random.normal(k3, (D, D), dtype=jnp.float32) * scale
    b1 = jnp.zeros((D,), dtype=jnp.float32)
    W2 = jax.random.normal(k4, (D, D), dtype=jnp.float32) * scale
    b2 = jnp.zeros((D,), dtype=jnp.float32)
    return {"x": x, "edge_index": edge_index, "W1": W1, "b1": b1, "W2": W2, "b2": b2}


def _gcn_conv(x, src, dst, W, b, num_nodes):
    # h = X W (PyG GCNConv: linear first, then normalized aggregation)
    h = x @ W
    # symmetric normalization with self-loops already appended to (src, dst)
    deg = jnp.zeros((num_nodes,), dtype=h.dtype).at[dst].add(1.0)
    dinv = jnp.where(deg > 0, jax.lax.rsqrt(deg), 0.0)
    norm = dinv[src] * dinv[dst]
    msg = h[src] * norm[:, None]
    out = jnp.zeros((num_nodes, h.shape[1]), dtype=h.dtype).at[dst].add(msg)
    return out + b


def reference(x, edge_index, W1, b1, W2, b2):
    num_nodes = x.shape[0]
    loop = jnp.arange(num_nodes, dtype=edge_index.dtype)
    src = jnp.concatenate([edge_index[0], loop])
    dst = jnp.concatenate([edge_index[1], loop])
    h = _gcn_conv(x, src, dst, W1, b1, num_nodes)
    h = jax.nn.relu(h)
    out = _gcn_conv(h, src, dst, W2, b2, num_nodes)
    return out

if __name__ == "__main__":
    import jax
    _d = setup_inputs()
    print(jax.jit(kernel)(*tuple(_d.values())))

</pallas_src>

<mosaic_0001>
#map = affine_map<(d0, d1) -> (0, 0)>
#map1 = affine_map<(d0, d1) -> (0, 0, 0)>
module attributes {stable_mosaic.version = 14 : i64} {
  func.func @body(%arg0: i32, %arg1: i32, %arg2: memref<10000x128xf32, #tpu.memory_space<hbm>>, %arg3: memref<32x79x128xi32, #tpu.memory_space<hbm>>, %arg4: memref<32x79x128xi32, #tpu.memory_space<hbm>>, %arg5: memref<640x128xf32, #tpu.memory_space<hbm>>, %arg6: memref<2x10240x128xf32, #tpu.memory_space<hbm>>, %arg7: memref<79x128xi32, #tpu.memory_space<vmem>>, %arg8: memref<79x128xi32, #tpu.memory_space<vmem>>, %arg9: memref<128x128xf32, #tpu.memory_space<vmem>>, %arg10: memref<10240x128xf32, #tpu.memory_space<vmem_shared>>) attributes {dimension_semantics = [#tpu.dimension_semantics<core_parallel>, #tpu.dimension_semantics<subcore_parallel>], iteration_bounds = array<i64: 2, 16>, scalar_prefetch = 0 : i64, scratch_operands = 4 : i64, tpu.core_type = #tpu.core_type<sc_vector_subcore>, window_params = [{transform_indices = #map}, {transform_indices = #map1}, {transform_indices = #map1}, {transform_indices = #map}, {transform_indices = #map1}]} {
    %mul3A = arith.constant 16 : i32
    %mul3A_0 = arith.muli %arg0, %mul3A : i32
    %add3A = arith.addi %mul3A_0, %arg1 : i32
    %mul3A_1 = arith.constant 640 : i32
    %mul3A_2 = arith.muli %arg1, %mul3A_1 : i32
    "tpu.region"() ({
      %run_scoped3A = tpu.sem_alloc : memref<!tpu.dma_semaphore, #tpu.memory_space<semaphore_mem>>
      %dma_start3A = arith.constant 0 : i32
      %dma_start3A_13 = tpu.memref_slice %arg10[%mul3A_2, %dma_start3A] : memref<10240x128xf32, #tpu.memory_space<vmem_shared>> -> memref<640x128xf32, #tpu.memory_space<vmem_shared>>
      tpu.enqueue_dma source(%arg5 : memref<640x128xf32, #tpu.memory_space<hbm>>) target(%dma_start3A_13 : memref<640x128xf32, #tpu.memory_space<vmem_shared>>) target_semaphore(%run_scoped3A : memref<!tpu.dma_semaphore, #tpu.memory_space<semaphore_mem>>)
      %dma_wait3A = arith.constant 0 : i32
      %dma_wait3A_14 = tpu.memref_slice %arg10[%mul3A_2, %dma_wait3A] : memref<10240x128xf32, #tpu.memory_space<vmem_shared>> -> memref<640x128xf32, #tpu.memory_space<vmem_shared>>
      tpu.wait_dma2 semaphore(%run_scoped3A : memref<!tpu.dma_semaphore, #tpu.memory_space<semaphore_mem>>) src(%arg5 : memref<640x128xf32, #tpu.memory_space<hbm>>) dst(%dma_wait3A_14 : memref<640x128xf32, #tpu.memory_space<vmem_shared>>)
      tpu.yield
    }) : () -> ()
    "tpu.region"() ({
      %run_scoped3A = tpu.sem_alloc : memref<!tpu.dma_semaphore, #tpu.memory_space<semaphore_mem>>
      %dma_start3A = arith.constant 0 : i32
      %dma_start3A_13 = arith.constant 0 : i32
      %dma_start3A_14 = tpu.memref_slice %arg3[%add3A, %dma_start3A, %dma_start3A_13] : memref<32x79x128xi32, #tpu.memory_space<hbm>> -> memref<1x79x128xi32, #tpu.memory_space<hbm>>
      %dma_start3A_15 = tpu.memref_squeeze %dma_start3A_14 : memref<1x79x128xi32, #tpu.memory_space<hbm>> -> memref<79x128xi32, #tpu.memory_space<hbm>>
      %dma_start3A_16 = arith.constant 0 : i32
      %dma_start3A_17 = arith.constant 0 : i32
      %dma_start3A_18 = tpu.memref_slice %arg3[%add3A, %dma_start3A_16, %dma_start3A_17] : memref<32x79x128xi32, #tpu.memory_space<hbm>> -> memref<1x79x128xi32, #tpu.memory_space<hbm>>
      %dma_start3A_19 = tpu.memref_squeeze %dma_start3A_18 : memref<1x79x128xi32, #tpu.memory_space<hbm>> -> memref<79x128xi32, #tpu.memory_space<hbm>>
      tpu.enqueue_dma source(%dma_start3A_19 : memref<79x128xi32, #tpu.memory_space<hbm>>) target(%arg7 : memref<79x128xi32, #tpu.memory_space<vmem>>) target_semaphore(%run_scoped3A : memref<!tpu.dma_semaphore, #tpu.memory_space<semaphore_mem>>)
      %dma_wait3A = arith.constant 0 : i32
      %dma_wait3A_20 = arith.constant 0 : i32
      %dma_wait3A_21 = tpu.memref_slice %arg3[%add3A, %dma_wait3A, %dma_wait3A_20] : memref<32x79x128xi32, #tpu.memory_space<hbm>> -> memref<1x79x128xi32, #tpu.memory_space<hbm>>
      %dma_wait3A_22 = tpu.memref_squeeze %dma_wait3A_21 : memref<1x79x128xi32, #tpu.memory_space<hbm>> -> memref<79x128xi32, #tpu.memory_space<hbm>>
      %dma_wait3A_23 = arith.constant 0 : i32
      %dma_wait3A_24 = arith.constant 0 : i32
      %dma_wait3A_25 = tpu.memref_slice %arg3[%add3A, %dma_wait3A_23, %dma_wait3A_24] : memref<32x79x128xi32, #tpu.memory_space<hbm>> -> memref<1x79x128xi32, #tpu.memory_space<hbm>>
      %dma_wait3A_26 = tpu.memref_squeeze %dma_wait3A_25 : memref<1x79x128xi32, #tpu.memory_space<hbm>> -> memref<79x128xi32, #tpu.memory_space<hbm>>
      tpu.wait_dma2 semaphore(%run_scoped3A : memref<!tpu.dma_semaphore, #tpu.memory_space<semaphore_mem>>) src(%dma_wait3A_26 : memref<79x128xi32, #tpu.memory_space<hbm>>) dst(%arg7 : memref<79x128xi32, #tpu.memory_space<vmem>>)
      tpu.yield
    }) : () -> ()
    "tpu.region"() ({
      %run_scoped3A = tpu.sem_alloc : memref<!tpu.dma_semaphore, #tpu.memory_space<semaphore_mem>>
      %dma_start3A = arith.constant 0 : i32
      %dma_start3A_13 = arith.constant 0 : i32
      %dma_start3A_14 = tpu.memref_slice %arg4[%add3A, %dma_start3A, %dma_start3A_13] : memref<32x79x128xi32, #tpu.memory_space<hbm>> -> memref<1x79x128xi32, #tpu.memory_space<hbm>>
      %dma_start3A_15 = tpu.memref_squeeze %dma_start3A_14 : memref<1x79x128xi32, #tpu.memory_space<hbm>> -> memref<79x128xi32, #tpu.memory_space<hbm>>
      %dma_start3A_16 = arith.constant 0 : i32
      %dma_start3A_17 = arith.constant 0 : i32
      %dma_start3A_18 = tpu.memref_slice %arg4[%add3A, %dma_start3A_16, %dma_start3A_17] : memref<32x79x128xi32, #tpu.memory_space<hbm>> -> memref<1x79x128xi32, #tpu.memory_space<hbm>>
      %dma_start3A_19 = tpu.memref_squeeze %dma_start3A_18 : memref<1x79x128xi32, #tpu.memory_space<hbm>> -> memref<79x128xi32, #tpu.memory_space<hbm>>
      tpu.enqueue_dma source(%dma_start3A_19 : memref<79x128xi32, #tpu.memory_space<hbm>>) target(%arg8 : memref<79x128xi32, #tpu.memory_space<vmem>>) target_semaphore(%run_scoped3A : memref<!tpu.dma_semaphore, #tpu.memory_space<semaphore_mem>>)
      %dma_wait3A = arith.constant 0 : i32
      %dma_wait3A_20 = arith.constant 0 : i32
      %dma_wait3A_21 = tpu.memref_slice %arg4[%add3A, %dma_wait3A, %dma_wait3A_20] : memref<32x79x128xi32, #tpu.memory_space<hbm>> -> memref<1x79x128xi32, #tpu.memory_space<hbm>>
      %dma_wait3A_22 = tpu.memref_squeeze %dma_wait3A_21 : memref<1x79x128xi32, #tpu.memory_space<hbm>> -> memref<79x128xi32, #tpu.memory_space<hbm>>
      %dma_wait3A_23 = arith.constant 0 : i32
      %dma_wait3A_24 = arith.constant 0 : i32
      %dma_wait3A_25 = tpu.memref_slice %arg4[%add3A, %dma_wait3A_23, %dma_wait3A_24] : memref<32x79x128xi32, #tpu.memory_space<hbm>> -> memref<1x79x128xi32, #tpu.memory_space<hbm>>
      %dma_wait3A_26 = tpu.memref_squeeze %dma_wait3A_25 : memref<1x79x128xi32, #tpu.memory_space<hbm>> -> memref<79x128xi32, #tpu.memory_space<hbm>>
      tpu.wait_dma2 semaphore(%run_scoped3A : memref<!tpu.dma_semaphore, #tpu.memory_space<semaphore_mem>>) src(%dma_wait3A_26 : memref<79x128xi32, #tpu.memory_space<hbm>>) dst(%arg8 : memref<79x128xi32, #tpu.memory_space<vmem>>)
      tpu.yield
    }) : () -> ()
    %barrier3A = arith.constant 0 : index
    tpu.barrier barrier_id(%barrier3A)
    %scan3A = arith.constant 0 : i32
    %scan3A_3 = arith.constant 0 : i32
    %scan3A_4 = arith.constant 79 : i32
    %scan3A_5 = arith.addi %scan3A_3, %scan3A_4 : i32
    %scan3A_6 = arith.constant 1 : i32
    scf.for %scan3A_13 = %scan3A_3 to %scan3A_5 step %scan3A_6  : i32 {
      "tpu.region"() ({
        %run_scoped3A = tpu.sem_alloc : memref<!tpu.dma_semaphore, #tpu.memory_space<semaphore_mem>>
        %dma_start3A = arith.constant 0 : i32
        %dma_start3A_14 = tpu.memref_slice %arg7[%scan3A_13, %dma_start3A] : memref<79x128xi32, #tpu.memory_space<vmem>> -> memref<1x128xi32, #tpu.memory_space<vmem>>
        %dma_start3A_15 = tpu.memref_squeeze %dma_start3A_14 : memref<1x128xi32, #tpu.memory_space<vmem>> -> memref<128xi32, #tpu.memory_space<vmem>>
        %dma_start3A_16 = arith.constant 0 : i32
        %dma_start3A_17 = arith.constant 0 : i32
        %dma_start3A_18 = tpu.memref_slice %arg2[%dma_start3A_16, %dma_start3A_17] : memref<10000x128xf32, #tpu.memory_space<hbm>> -> memref<10000x128xf32, #tpu.memory_space<hbm>>
        tpu.enqueue_indirect_dma source(%dma_start3A_18 : memref<10000x128xf32, #tpu.memory_space<hbm>>) target(%arg9 : memref<128x128xf32, #tpu.memory_space<vmem>>) offsets(%dma_start3A_15 : memref<128xi32, #tpu.memory_space<vmem>>) semaphore(%run_scoped3A : memref<!tpu.dma_semaphore, #tpu.memory_space<semaphore_mem>>)
        %dma_wait3A = arith.constant 0 : i32
        %dma_wait3A_19 = tpu.memref_slice %arg7[%scan3A_13, %dma_wait3A] : memref<79x128xi32, #tpu.memory_space<vmem>> -> memref<1x128xi32, #tpu.memory_space<vmem>>
        %dma_wait3A_20 = tpu.memref_squeeze %dma_wait3A_19 : memref<1x128xi32, #tpu.memory_space<vmem>> -> memref<128xi32, #tpu.memory_space<vmem>>
        %dma_wait3A_21 = arith.constant 0 : i32
        %dma_wait3A_22 = arith.constant 0 : i32
        %dma_wait3A_23 = tpu.memref_slice %arg2[%dma_wait3A_21, %dma_wait3A_22] : memref<10000x128xf32, #tpu.memory_space<hbm>> -> memref<10000x128xf32, #tpu.memory_space<hbm>>
        tpu.wait_indirect_dma semaphore(%run_scoped3A : memref<!tpu.dma_semaphore, #tpu.memory_space<semaphore_mem>>) src(%dma_wait3A_23 : memref<10000x128xf32, #tpu.memory_space<hbm>>) dst(%arg9 : memref<128x128xf32, #tpu.memory_space<vmem>>)
        tpu.yield
      }) : () -> ()
      "tpu.region"() ({
        %run_scoped3A = tpu.sem_alloc : memref<!tpu.dma_semaphore, #tpu.memory_space<semaphore_mem>>
        %dma_start3A = arith.constant 0 : i32
        %dma_start3A_14 = tpu.memref_slice %arg8[%scan3A_13, %dma_start3A] : memref<79x128xi32, #tpu.memory_space<vmem>> -> memref<1x128xi32, #tpu.memory_space<vmem>>
        %dma_start3A_15 = tpu.memref_squeeze %dma_start3A_14 : memref<1x128xi32, #tpu.memory_space<vmem>> -> memref<128xi32, #tpu.memory_space<vmem>>
        %dma_start3A_16 = arith.constant 0 : i32
        %dma_start3A_17 = arith.constant 0 : i32
        %dma_start3A_18 = tpu.memref_slice %arg10[%dma_start3A_16, %dma_start3A_17] : memref<10240x128xf32, #tpu.memory_space<vmem_shared>> -> memref<10240x128xf32, #tpu.memory_space<vmem_shared>>
        tpu.enqueue_indirect_dma source(%arg9 : memref<128x128xf32, #tpu.memory_space<vmem>>) target(%dma_start3A_18 : memref<10240x128xf32, #tpu.memory_space<vmem_shared>>) offsets(%dma_start3A_15 : memref<128xi32, #tpu.memory_space<vmem>>) semaphore(%run_scoped3A : memref<!tpu.dma_semaphore, #tpu.memory_space<semaphore_mem>>) {add = true}
        %dma_wait3A = arith.constant 0 : i32
        %dma_wait3A_19 = tpu.memref_slice %arg8[%scan3A_13, %dma_wait3A] : memref<79x128xi32, #tpu.memory_space<vmem>> -> memref<1x128xi32, #tpu.memory_space<vmem>>
        %dma_wait3A_20 = tpu.memref_squeeze %dma_wait3A_19 : memref<1x128xi32, #tpu.memory_space<vmem>> -> memref<128xi32, #tpu.memory_space<vmem>>
        %dma_wait3A_21 = arith.constant 0 : i32
        %dma_wait3A_22 = arith.constant 0 : i32
        %dma_wait3A_23 = tpu.memref_slice %arg10[%dma_wait3A_21, %dma_wait3A_22] : memref<10240x128xf32, #tpu.memory_space<vmem_shared>> -> memref<10240x128xf32, #tpu.memory_space<vmem_shared>>
        tpu.wait_indirect_dma semaphore(%run_scoped3A : memref<!tpu.dma_semaphore, #tpu.memory_space<semaphore_mem>>) src(%arg9 : memref<128x128xf32, #tpu.memory_space<vmem>>) dst(%dma_wait3A_23 : memref<10240x128xf32, #tpu.memory_space<vmem_shared>>)
        tpu.yield
      }) : () -> ()
    }
    %scan3A_7 = arith.constant 79 : i32
    %barrier3A_8 = arith.constant 0 : index
    tpu.barrier barrier_id(%barrier3A_8)
    %mul3A_9 = arith.constant 640 : i32
    %mul3A_10 = arith.muli %arg1, %mul3A_9 : i32
    %mul3A_11 = arith.constant 640 : i32
    %mul3A_12 = arith.muli %arg1, %mul3A_11 : i32
    "tpu.region"() ({
      %run_scoped3A = tpu.sem_alloc : memref<!tpu.dma_semaphore, #tpu.memory_space<semaphore_mem>>
      %dma_start3A = arith.constant 0 : i32
      %dma_start3A_13 = tpu.memref_slice %arg6[%arg0, %mul3A_12, %dma_start3A] : memref<2x10240x128xf32, #tpu.memory_space<hbm>> -> memref<1x640x128xf32, #tpu.memory_space<hbm>>
      %dma_start3A_14 = tpu.memref_squeeze %dma_start3A_13 : memref<1x640x128xf32, #tpu.memory_space<hbm>> -> memref<640x128xf32, #tpu.memory_space<hbm>>
      %dma_start3A_15 = arith.constant 0 : i32
      %dma_start3A_16 = tpu.memref_slice %arg10[%mul3A_10, %dma_start3A_15] : memref<10240x128xf32, #tpu.memory_space<vmem_shared>> -> memref<640x128xf32, #tpu.memory_space<vmem_shared>>
      tpu.enqueue_dma source(%dma_start3A_16 : memref<640x128xf32, #tpu.memory_space<vmem_shared>>) target(%dma_start3A_14 : memref<640x128xf32, #tpu.memory_space<hbm>>) target_semaphore(%run_scoped3A : memref<!tpu.dma_semaphore, #tpu.memory_space<semaphore_mem>>)
      %dma_wait3A = arith.constant 0 : i32
      %dma_wait3A_17 = tpu.memref_slice %arg6[%arg0, %mul3A_12, %dma_wait3A] : memref<2x10240x128xf32, #tpu.memory_space<hbm>> -> memref<1x640x128xf32, #tpu.memory_space<hbm>>
      %dma_wait3A_18 = tpu.memref_squeeze %dma_wait3A_17 : memref<1x640x128xf32, #tpu.memory_space<hbm>> -> memref<640x128xf32, #tpu.memory_space<hbm>>
      %dma_wait3A_19 = arith.constant 0 : i32
      %dma_wait3A_20 = tpu.memref_slice %arg10[%mul3A_10, %dma_wait3A_19] : memref<10240x128xf32, #tpu.memory_space<vmem_shared>> -> memref<640x128xf32, #tpu.memory_space<vmem_shared>>
      tpu.wait_dma2 semaphore(%run_scoped3A : memref<!tpu.dma_semaphore, #tpu.memory_space<semaphore_mem>>) src(%dma_wait3A_20 : memref<640x128xf32, #tpu.memory_space<vmem_shared>>) dst(%dma_wait3A_18 : memref<640x128xf32, #tpu.memory_space<hbm>>)
      tpu.yield
    }) : () -> ()
    return
  }
}

#map = affine_map<(d0, d1) -> (0, 0, 0)>
#map1 = affine_map<(d0, d1) -> (0)>
module attributes {stable_mosaic.version = 14 : i64} {
  func.func @body(%arg0: i32, %arg1: i32, %arg2: memref<32x79x128xi32, #tpu.memory_space<hbm>>, %arg3: memref<10240xf32, #tpu.memory_space<hbm>>, %arg4: memref<20480xf32, #tpu.memory_space<hbm>>, %arg5: memref<79x128xi32, #tpu.memory_space<vmem>>, %arg6: memref<10240xf32, #tpu.memory_space<vmem>>, %arg7: memref<640xf32, #tpu.memory_space<vmem>>, %arg8: memref<640xf32, #tpu.memory_space<vmem>>, %arg9: memref<16x10240xf32, #tpu.memory_space<vmem_shared>>) attributes {dimension_semantics = [#tpu.dimension_semantics<core_parallel>, #tpu.dimension_semantics<subcore_parallel>], iteration_bounds = array<i64: 2, 16>, scalar_prefetch = 0 : i64, scratch_operands = 5 : i64, tpu.core_type = #tpu.core_type<sc_vector_subcore>, window_params = [{transform_indices = #map}, {transform_indices = #map1}, {transform_indices = #map1}]} {
    %mul3A = arith.constant 16 : i32
    %mul3A_0 = arith.muli %arg0, %mul3A : i32
    %add3A = arith.addi %mul3A_0, %arg1 : i32
    "tpu.region"() ({
      %run_scoped3A_149 = tpu.sem_alloc : memref<!tpu.dma_semaphore, #tpu.memory_space<semaphore_mem>>
      %dma_start3A = arith.constant 0 : i32
      %dma_start3A_150 = arith.constant 0 : i32
      %dma_start3A_151 = tpu.memref_slice %arg2[%add3A, %dma_start3A, %dma_start3A_150] : memref<32x79x128xi32, #tpu.memory_space<hbm>> -> memref<1x79x128xi32, #tpu.memory_space<hbm>>
      %dma_start3A_152 = tpu.memref_squeeze %dma_start3A_151 : memref<1x79x128xi32, #tpu.memory_space<hbm>> -> memref<79x128xi32, #tpu.memory_space<hbm>>
      %dma_start3A_153 = arith.constant 0 : i32
      %dma_start3A_154 = arith.constant 0 : i32
      %dma_start3A_155 = tpu.memref_slice %arg2[%add3A, %dma_start3A_153, %dma_start3A_154] : memref<32x79x128xi32, #tpu.memory_space<hbm>> -> memref<1x79x128xi32, #tpu.memory_space<hbm>>
      %dma_start3A_156 = tpu.memref_squeeze %dma_start3A_155 : memref<1x79x128xi32, #tpu.memory_space<hbm>> -> memref<79x128xi32, #tpu.memory_space<hbm>>
      tpu.enqueue_dma source(%dma_start3A_156 : memref<79x128xi32, #tpu.memory_space<hbm>>) target(%arg5 : memref<79x128xi32, #tpu.memory_space<vmem>>) target_semaphore(%run_scoped3A_149 : memref<!tpu.dma_semaphore, #tpu.memory_space<semaphore_mem>>)
      %dma_wait3A = arith.constant 0 : i32
      %dma_wait3A_157 = arith.constant 0 : i32
      %dma_wait3A_158 = tpu.memref_slice %arg2[%add3A, %dma_wait3A, %dma_wait3A_157] : memref<32x79x128xi32, #tpu.memory_space<hbm>> -> memref<1x79x128xi32, #tpu.memory_space<hbm>>
      %dma_wait3A_159 = tpu.memref_squeeze %dma_wait3A_158 : memref<1x79x128xi32, #tpu.memory_space<hbm>> -> memref<79x128xi32, #tpu.memory_space<hbm>>
      %dma_wait3A_160 = arith.constant 0 : i32
      %dma_wait3A_161 = arith.constant 0 : i32
      %dma_wait3A_162 = tpu.memref_slice %arg2[%add3A, %dma_wait3A_160, %dma_wait3A_161] : memref<32x79x128xi32, #tpu.memory_space<hbm>> -> memref<1x79x128xi32, #tpu.memory_space<hbm>>
      %dma_wait3A_163 = tpu.memref_squeeze %dma_wait3A_162 : memref<1x79x128xi32, #tpu.memory_space<hbm>> -> memref<79x128xi32, #tpu.memory_space<hbm>>
      tpu.wait_dma2 semaphore(%run_scoped3A_149 : memref<!tpu.dma_semaphore, #tpu.memory_space<semaphore_mem>>) src(%dma_wait3A_163 : memref<79x128xi32, #tpu.memory_space<hbm>>) dst(%arg5 : memref<79x128xi32, #tpu.memory_space<vmem>>)
      tpu.yield
    }) : () -> ()
    "tpu.region"() ({
      %run_scoped3A_149 = tpu.sem_alloc : memref<!tpu.dma_semaphore, #tpu.memory_space<semaphore_mem>>
      tpu.enqueue_dma source(%arg3 : memref<10240xf32, #tpu.memory_space<hbm>>) target(%arg6 : memref<10240xf32, #tpu.memory_space<vmem>>) target_semaphore(%run_scoped3A_149 : memref<!tpu.dma_semaphore, #tpu.memory_space<semaphore_mem>>)
      tpu.wait_dma2 semaphore(%run_scoped3A_149 : memref<!tpu.dma_semaphore, #tpu.memory_space<semaphore_mem>>) src(%arg3 : memref<10240xf32, #tpu.memory_space<hbm>>) dst(%arg6 : memref<10240xf32, #tpu.memory_space<vmem>>)
      tpu.yield
    }) : () -> ()
    %broadcast_in_dim3A = arith.constant 1.000000e+00 : f32
    %broadcast_in_dim3A_1 = vector.broadcast %broadcast_in_dim3A : f32 to vector<16xf32>
    %scan3A = arith.constant 0 : i32
    %scan3A_2 = arith.constant 0 : i32
    %scan3A_3 = arith.constant 79 : i32
    %scan3A_4 = arith.addi %scan3A_2, %scan3A_3 : i32
    %scan3A_5 = arith.constant 1 : i32
    scf.for %scan3A_149 = %scan3A_2 to %scan3A_4 step %scan3A_5  : i32 {
      %get3A = arith.index_cast %scan3A_149 : i32 to index
      %get3A_150 = arith.constant 0 : index
      %get3A_151 = tpu.vector_load %arg5[%get3A, %get3A_150] {strides = array<i32>} : memref<79x128xi32, #tpu.memory_space<vmem>>, vector<16xi32>,
      tpu.vector_store_idx %arg6[%get3A_151], %broadcast_in_dim3A_1 {add = true} : memref<10240xf32, #tpu.memory_space<vmem>>[vector<16xi32>], vector<16xf32>,
      %get3A_152 = arith.index_cast %scan3A_149 : i32 to index
      %get3A_153 = arith.constant 16 : index
      %get3A_154 = tpu.vector_load %arg5[%get3A_152, %get3A_153] {strides = array<i32>} : memref<79x128xi32, #tpu.memory_space<vmem>>, vector<16xi32>,
      tpu.vector_store_idx %arg6[%get3A_154], %broadcast_in_dim3A_1 {add = true} : memref<10240xf32, #tpu.memory_space<vmem>>[vector<16xi32>], vector<16xf32>,
      %get3A_155 = arith.index_cast %scan3A_149 : i32 to index
      %get3A_156 = arith.constant 32 : index
      %get3A_157 = tpu.vector_load %arg5[%get3A_155, %get3A_156] {strides = array<i32>} : memref<79x128xi32, #tpu.memory_space<vmem>>, vector<16xi32>,
      tpu.vector_store_idx %arg6[%get3A_157], %broadcast_in_dim3A_1 {add = true} : memref<10240xf32, #tpu.memory_space<vmem>>[vector<16xi32>], vector<16xf32>,
      %get3A_158 = arith.index_cast %scan3A_149 : i32 to index
      %get3A_159 = arith.constant 48 : index
      %get3A_160 = tpu.vector_load %arg5[%get3A_158, %get3A_159] {strides = array<i32>} : memref<79x128xi32, #tpu.memory_space<vmem>>, vector<16xi32>,
      tpu.vector_store_idx %arg6[%get3A_160], %broadcast_in_dim3A_1 {add = true} : memref<10240xf32, #tpu.memory_space<vmem>>[vector<16xi32>], vector<16xf32>,
      %get3A_161 = arith.index_cast %scan3A_149 : i32 to index
      %get3A_162 = arith.constant 64 : index
      %get3A_163 = tpu.vector_load %arg5[%get3A_161, %get3A_162] {strides = array<i32>} : memref<79x128xi32, #tpu.memory_space<vmem>>, vector<16xi32>,
      tpu.vector_store_idx %arg6[%get3A_163], %broadcast_in_dim3A_1 {add = true} : memref<10240xf32, #tpu.memory_space<vmem>>[vector<16xi32>], vector<16xf32>,
      %get3A_164 = arith.index_cast %scan3A_149 : i32 to index
      %get3A_165 = arith.constant 80 : index
      %get3A_166 = tpu.vector_load %arg5[%get3A_164, %get3A_165] {strides = array<i32>} : memref<79x128xi32, #tpu.memory_space<vmem>>, vector<16xi32>,
      tpu.vector_store_idx %arg6[%get3A_166], %broadcast_in_dim3A_1 {add = true} : memref<10240xf32, #tpu.memory_space<vmem>>[vector<16xi32>], vector<16xf32>,
      %get3A_167 = arith.index_cast %scan3A_149 : i32 to index
      %get3A_168 = arith.constant 96 : index
      %get3A_169 = tpu.vector_load %arg5[%get3A_167, %get3A_168] {strides = array<i32>} : memref<79x128xi32, #tpu.memory_space<vmem>>, vector<16xi32>,
      tpu.vector_store_idx %arg6[%get3A_169], %broadcast_in_dim3A_1 {add = true} : memref<10240xf32, #tpu.memory_space<vmem>>[vector<16xi32>], vector<16xf32>,
      %get3A_170 = arith.index_cast %scan3A_149 : i32 to index
      %get3A_171 = arith.constant 112 : index
      %get3A_172 = tpu.vector_load %arg5[%get3A_170, %get3A_171] {strides = array<i32>} : memref<79x128xi32, #tpu.memory_space<vmem>>, vector<16xi32>,
      tpu.vector_store_idx %arg6[%get3A_172], %broadcast_in_dim3A_1 {add = true} : memref<10240xf32, #tpu.memory_space<vmem>>[vector<16xi32>], vector<16xf32>,
    }
    %scan3A_6 = arith.constant 79 : i32
    "tpu.region"() ({
      %run_scoped3A_149 = tpu.sem_alloc : memref<!tpu.dma_semaphore, #tpu.memory_space<semaphore_mem>>
      %dma_start3A = arith.constant 0 : i32
      %dma_start3A_150 = tpu.memref_slice %arg9[%arg1, %dma_start3A] : memref<16x10240xf32, #tpu.memory_space<vmem_shared>> -> memref<1x10240xf32, #tpu.memory_space<vmem_shared>>
      %dma_start3A_151 = tpu.memref_squeeze %dma_start3A_150 : memref<1x10240xf32, #tpu.memory_space<vmem_shared>> -> memref<10240xf32, #tpu.memory_space<vmem_shared>>
      %dma_start3A_152 = arith.constant 0 : i32
      %dma_start3A_153 = tpu.memref_slice %arg9[%arg1, %dma_start3A_152] : memref<16x10240xf32, #tpu.memory_space<vmem_shared>> -> memref<1x10240xf32, #tpu.memory_space<vmem_shared>>
      %dma_start3A_154 = tpu.memref_squeeze %dma_start3A_153 : memref<1x10240xf32, #tpu.memory_space<vmem_shared>> -> memref<10240xf32, #tpu.memory_space<vmem_shared>>
      tpu.enqueue_dma source(%arg6 : memref<10240xf32, #tpu.memory_space<vmem>>) target(%dma_start3A_154 : memref<10240xf32, #tpu.memory_space<vmem_shared>>) target_semaphore(%run_scoped3A_149 : memref<!tpu.dma_semaphore, #tpu.memory_space<semaphore_mem>>)
      %dma_wait3A = arith.constant 0 : i32
      %dma_wait3A_155 = tpu.memref_slice %arg9[%arg1, %dma_wait3A] : memref<16x10240xf32, #tpu.memory_space<vmem_shared>> -> memref<1x10240xf32, #tpu.memory_space<vmem_shared>>
      %dma_wait3A_156 = tpu.memref_squeeze %dma_wait3A_155 : memref<1x10240xf32, #tpu.memory_space<vmem_shared>> -> memref<10240xf32, #tpu.memory_space<vmem_shared>>
      %dma_wait3A_157 = arith.constant 0 : i32
      %dma_wait3A_158 = tpu.memref_slice %arg9[%arg1, %dma_wait3A_157] : memref<16x10240xf32, #tpu.memory_space<vmem_shared>> -> memref<1x10240xf32, #tpu.memory_space<vmem_shared>>
      %dma_wait3A_159 = tpu.memref_squeeze %dma_wait3A_158 : memref<1x10240xf32, #tpu.memory_space<vmem_shared>> -> memref<10240xf32, #tpu.memory_space<vmem_shared>>
      tpu.wait_dma2 semaphore(%run_scoped3A_149 : memref<!tpu.dma_semaphore, #tpu.memory_space<semaphore_mem>>) src(%arg6 : memref<10240xf32, #tpu.memory_space<vmem>>) dst(%dma_wait3A_159 : memref<10240xf32, #tpu.memory_space<vmem_shared>>)
      tpu.yield
    }) : () -> ()
    %barrier3A = arith.constant 0 : index
    tpu.barrier barrier_id(%barrier3A)
    %mul3A_7 = arith.constant 640 : i32
    %mul3A_8 = arith.muli %arg1, %mul3A_7 : i32
    %run_scoped3A = arith.constant 0 : i32
    "tpu.region"() ({
      %run_scoped3A_149 = tpu.sem_alloc : memref<!tpu.dma_semaphore, #tpu.memory_space<semaphore_mem>>
      %dma_start3A = tpu.memref_slice %arg9[%run_scoped3A, %mul3A_8] : memref<16x10240xf32, #tpu.memory_space<vmem_shared>> -> memref<1x640xf32, #tpu.memory_space<vmem_shared>>
      %dma_start3A_150 = tpu.memref_squeeze %dma_start3A : memref<1x640xf32, #tpu.memory_space<vmem_shared>> -> memref<640xf32, #tpu.memory_space<vmem_shared>>
      %dma_start3A_151 = tpu.memref_slice %arg9[%run_scoped3A, %mul3A_8] : memref<16x10240xf32, #tpu.memory_space<vmem_shared>> -> memref<1x640xf32, #tpu.memory_space<vmem_shared>>
      %dma_start3A_152 = tpu.memref_squeeze %dma_start3A_151 : memref<1x640xf32, #tpu.memory_space<vmem_shared>> -> memref<640xf32, #tpu.memory_space<vmem_shared>>
      tpu.enqueue_dma source(%dma_start3A_152 : memref<640xf32, #tpu.memory_space<vmem_shared>>) target(%arg7 : memref<640xf32, #tpu.memory_space<vmem>>) target_semaphore(%run_scoped3A_149 : memref<!tpu.dma_semaphore, #tpu.memory_space<semaphore_mem>>)
      %dma_wait3A = tpu.memref_slice %arg9[%run_scoped3A, %mul3A_8] : memref<16x10240xf32, #tpu.memory_space<vmem_shared>> -> memref<1x640xf32, #tpu.memory_space<vmem_shared>>
      %dma_wait3A_153 = tpu.memref_squeeze %dma_wait3A : memref<1x640xf32, #tpu.memory_space<vmem_shared>> -> memref<640xf32, #tpu.memory_space<vmem_shared>>
      %dma_wait3A_154 = tpu.memref_slice %arg9[%run_scoped3A, %mul3A_8] : memref<16x10240xf32, #tpu.memory_space<vmem_shared>> -> memref<1x640xf32, #tpu.memory_space<vmem_shared>>
      %dma_wait3A_155 = tpu.memref_squeeze %dma_wait3A_154 : memref<1x640xf32, #tpu.memory_space<vmem_shared>> -> memref<640xf32, #tpu.memory_space<vmem_shared>>
      tpu.wait_dma2 semaphore(%run_scoped3A_149 : memref<!tpu.dma_semaphore, #tpu.memory_space<semaphore_mem>>) src(%dma_wait3A_155 : memref<640xf32, #tpu.memory_space<vmem_shared>>) dst(%arg7 : memref<640xf32, #tpu.memory_space<vmem>>)
      tpu.yield
    }) : () -> ()
    %mul3A_9 = arith.constant 640 : i32
    %mul3A_10 = arith.muli %arg1, %mul3A_9 : i32
    %run_scoped3A_11 = arith.constant 1 : i32
    "tpu.region"() ({
      %run_scoped3A_149 = tpu.sem_alloc : memref<!tpu.dma_semaphore, #tpu.memory_space<semaphore_mem>>
      %dma_start3A = tpu.memref_slice %arg9[%run_scoped3A_11, %mul3A_10] : memref<16x10240xf32, #tpu.memory_space<vmem_shared>> -> memref<1x640xf32, #tpu.memory_space<vmem_shared>>
      %dma_start3A_150 = tpu.memref_squeeze %dma_start3A : memref<1x640xf32, #tpu.memory_space<vmem_shared>> -> memref<640xf32, #tpu.memory_space<vmem_shared>>
      %dma_start3A_151 = tpu.memref_slice %arg9[%run_scoped3A_11, %mul3A_10] : memref<16x10240xf32, #tpu.memory_space<vmem_shared>> -> memref<1x640xf32, #tpu.memory_space<vmem_shared>>
      %dma_start3A_152 = tpu.memref_squeeze %dma_start3A_151 : memref<1x640xf32, #tpu.memory_space<vmem_shared>> -> memref<640xf32, #tpu.memory_space<vmem_shared>>
      tpu.enqueue_dma source(%dma_start3A_152 : memref<640xf32, #tpu.memory_space<vmem_shared>>) target(%arg8 : memref<640xf32, #tpu.memory_space<vmem>>) target_semaphore(%run_scoped3A_149 : memref<!tpu.dma_semaphore, #tpu.memory_space<semaphore_mem>>)
      %dma_wait3A = tpu.memref_slice %arg9[%run_scoped3A_11, %mul3A_10] : memref<16x10240xf32, #tpu.memory_space<vmem_shared>> -> memref<1x640xf32, #tpu.memory_space<vmem_shared>>
      %dma_wait3A_153 = tpu.memref_squeeze %dma_wait3A : memref<1x640xf32, #tpu.memory_space<vmem_shared>> -> memref<640xf32, #tpu.memory_space<vmem_shared>>
      %dma_wait3A_154 = tpu.memref_slice %arg9[%run_scoped3A_11, %mul3A_10] : memref<16x10240xf32, #tpu.memory_space<vmem_shared>> -> memref<1x640xf32, #tpu.memory_space<vmem_shared>>
      %dma_wait3A_155 = tpu.memref_squeeze %dma_wait3A_154 : memref<1x640xf32, #tpu.memory_space<vmem_shared>> -> memref<640xf32, #tpu.memory_space<vmem_shared>>
      tpu.wait_dma2 semaphore(%run_scoped3A_149 : memref<!tpu.dma_semaphore, #tpu.memory_space<semaphore_mem>>) src(%dma_wait3A_155 : memref<640xf32, #tpu.memory_space<vmem_shared>>) dst(%arg8 : memref<640xf32, #tpu.memory_space<vmem>>)
      tpu.yield
    }) : () -> ()
    %scan3A_12 = arith.constant 0 : i32
    %scan3A_13 = arith.constant 0 : i32
    %scan3A_14 = arith.constant 40 : i32
    %scan3A_15 = arith.addi %scan3A_13, %scan3A_14 : i32
    %scan3A_16 = arith.constant 1 : i32
    scf.for %scan3A_149 = %scan3A_13 to %scan3A_15 step %scan3A_16  : i32 {
      %mul3A_150 = arith.constant 16 : i32
      %mul3A_151 = arith.muli %scan3A_149, %mul3A_150 : i32
      %get3A = arith.index_cast %mul3A_151 : i32 to index
      %get3A_152 = tpu.vector_load %arg7[%get3A] {strides = array<i32>} : memref<640xf32, #tpu.memory_space<vmem>>, vector<16xf32>,
      %get3A_153 = arith.index_cast %mul3A_151 : i32 to index
      %get3A_154 = tpu.vector_load %arg8[%get3A_153] {strides = array<i32>} : memref<640xf32, #tpu.memory_space<vmem>>, vector<16xf32>,
      %add3A_155 = arith.addf %get3A_152, %get3A_154 : vector<16xf32>
      %swap3A = arith.index_cast %mul3A_151 : i32 to index
      %swap3A_156 = tpu.vector_load %arg7[%swap3A] {strides = array<i32>} : memref<640xf32, #tpu.memory_space<vmem>>, vector<16xf32>,
      tpu.vector_store %arg7[%swap3A], %add3A_155 {strides = array<i32>} : memref<640xf32, #tpu.memory_space<vmem>>, vector<16xf32>,
    }
    %scan3A_17 = arith.constant 40 : i32
    %mul3A_18 = arith.constant 640 : i32
    %mul3A_19 = arith.muli %arg1, %mul3A_18 : i32
    %run_scoped3A_20 = arith.constant 2 : i32
    "tpu.region"() ({
      %run_scoped3A_149 = tpu.sem_alloc : memref<!tpu.dma_semaphore, #tpu.memory_space<semaphore_mem>>
      %dma_start3A = tpu.memref_slice %arg9[%run_scoped3A_20, %mul3A_19] : memref<16x10240xf32, #tpu.memory_space<vmem_shared>> -> memref<1x640xf32, #tpu.memory_space<vmem_shared>>
      %dma_start3A_150 = tpu.memref_squeeze %dma_start3A : memref<1x640xf32, #tpu.memory_space<vmem_shared>> -> memref<640xf32, #tpu.memory_space<vmem_shared>>
      %dma_start3A_151 = tpu.memref_slice %arg9[%run_scoped3A_20, %mul3A_19] : memref<16x10240xf32, #tpu.memory_space<vmem_shared>> -> memref<1x640xf32, #tpu.memory_space<vmem_shared>>
      %dma_start3A_152 = tpu.memref_squeeze %dma_start3A_151 : memref<1x640xf32, #tpu.memory_space<vmem_shared>> -> memref<640xf32, #tpu.memory_space<vmem_shared>>
      tpu.enqueue_dma source(%dma_start3A_152 : memref<640xf32, #tpu.memory_space<vmem_shared>>) target(%arg8 : memref<640xf32, #tpu.memory_space<vmem>>) target_semaphore(%run_scoped3A_149 : memref<!tpu.dma_semaphore, #tpu.memory_space<semaphore_mem>>)
      %dma_wait3A = tpu.memref_slice %arg9[%run_scoped3A_20, %mul3A_19] : memref<16x10240xf32, #tpu.memory_space<vmem_shared>> -> memref<1x640xf32, #tpu.memory_space<vmem_shared>>
      %dma_wait3A_153 = tpu.memref_squeeze %dma_wait3A : memref<1x640xf32, #tpu.memory_space<vmem_shared>> -> memref<640xf32, #tpu.memory_space<vmem_shared>>
      %dma_wait3A_154 = tpu.memref_slice %arg9[%run_scoped3A_20, %mul3A_19] : memref<16x10240xf32, #tpu.memory_space<vmem_shared>> -> memref<1x640xf32, #tpu.memory_space<vmem_shared>>
      %dma_wait3A_155 = tpu.memref_squeeze %dma_wait3A_154 : memref<1x640xf32, #tpu.memory_space<vmem_shared>> -> memref<640xf32, #tpu.memory_space<vmem_shared>>
      tpu.wait_dma2 semaphore(%run_scoped3A_149 : memref<!tpu.dma_semaphore, #tpu.memory_space<semaphore_mem>>) src(%dma_wait3A_155 : memref<640xf32, #tpu.memory_space<vmem_shared>>) dst(%arg8 : memref<640xf32, #tpu.memory_space<vmem>>)
      tpu.yield
    }) : () -> ()
    %scan3A_21 = arith.constant 0 : i32
    %scan3A_22 = arith.constant 0 : i32
    %scan3A_23 = arith.constant 40 : i32
    %scan3A_24 = arith.addi %scan3A_22, %scan3A_23 : i32
    %scan3A_25 = arith.constant 1 : i32
    scf.for %scan3A_149 = %scan3A_22 to %scan3A_24 step %scan3A_25  : i32 {
      %mul3A_150 = arith.constant 16 : i32
      %mul3A_151 = arith.muli %scan3A_149, %mul3A_150 : i32
      %get3A = arith.index_cast %mul3A_151 : i32 to index
      %get3A_152 = tpu.vector_load %arg7[%get3A] {strides = array<i32>} : memref<640xf32, #tpu.memory_space<vmem>>, vector<16xf32>,
      %get3A_153 = arith.index_cast %mul3A_151 : i32 to index
      %get3A_154 = tpu.vector_load %arg8[%get3A_153] {strides = array<i32>} : memref<640xf32, #tpu.memory_space<vmem>>, vector<16xf32>,
      %add3A_155 = arith.addf %get3A_152, %get3A_154 : vector<16xf32>
      %swap3A = arith.index_cast %mul3A_151 : i32 to index
      %swap3A_156 = tpu.vector_load %arg7[%swap3A] {strides = array<i32>} : memref<640xf32, #tpu.memory_space<vmem>>, vector<16xf32>,
      tpu.vector_store %arg7[%swap3A], %add3A_155 {strides = array<i32>} : memref<640xf32, #tpu.memory_space<vmem>>, vector<16xf32>,
    }
    %scan3A_26 = arith.constant 40 : i32
    %mul3A_27 = arith.constant 640 : i32
    %mul3A_28 = arith.muli %arg1, %mul3A_27 : i32
    %run_scoped3A_29 = arith.constant 3 : i32
    "tpu.region"() ({
      %run_scoped3A_149 = tpu.sem_alloc : memref<!tpu.dma_semaphore, #tpu.memory_space<semaphore_mem>>
      %dma_start3A = tpu.memref_slice %arg9[%run_scoped3A_29, %mul3A_28] : memref<16x10240xf32, #tpu.memory_space<vmem_shared>> -> memref<1x640xf32, #tpu.memory_space<vmem_shared>>
      %dma_start3A_150 = tpu.memref_squeeze %dma_start3A : memref<1x640xf32, #tpu.memory_space<vmem_shared>> -> memref<640xf32, #tpu.memory_space<vmem_shared>>
      %dma_start3A_151 = tpu.memref_slice %arg9[%run_scoped3A_29, %mul3A_28] : memref<16x10240xf32, #tpu.memory_space<vmem_shared>> -> memref<1x640xf32, #tpu.memory_space<vmem_shared>>
      %dma_start3A_152 = tpu.memref_squeeze %dma_start3A_151 : memref<1x640xf32, #tpu.memory_space<vmem_shared>> -> memref<640xf32, #tpu.memory_space<vmem_shared>>
      tpu.enqueue_dma source(%dma_start3A_152 : memref<640xf32, #tpu.memory_space<vmem_shared>>) target(%arg8 : memref<640xf32, #tpu.memory_space<vmem>>) target_semaphore(%run_scoped3A_149 : memref<!tpu.dma_semaphore, #tpu.memory_space<semaphore_mem>>)
      %dma_wait3A = tpu.memref_slice %arg9[%run_scoped3A_29, %mul3A_28] : memref<16x10240xf32, #tpu.memory_space<vmem_shared>> -> memref<1x640xf32, #tpu.memory_space<vmem_shared>>
      %dma_wait3A_153 = tpu.memref_squeeze %dma_wait3A : memref<1x640xf32, #tpu.memory_space<vmem_shared>> -> memref<640xf32, #tpu.memory_space<vmem_shared>>
      %dma_wait3A_154 = tpu.memref_slice %arg9[%run_scoped3A_29, %mul3A_28] : memref<16x10240xf32, #tpu.memory_space<vmem_shared>> -> memref<1x640xf32, #tpu.memory_space<vmem_shared>>
      %dma_wait3A_155 = tpu.memref_squeeze %dma_wait3A_154 : memref<1x640xf32, #tpu.memory_space<vmem_shared>> -> memref<640xf32, #tpu.memory_space<vmem_shared>>
      tpu.wait_dma2 semaphore(%run_scoped3A_149 : memref<!tpu.dma_semaphore, #tpu.memory_space<semaphore_mem>>) src(%dma_wait3A_155 : memref<640xf32, #tpu.memory_space<vmem_shared>>) dst(%arg8 : memref<640xf32, #tpu.memory_space<vmem>>)
      tpu.yield
    }) : () -> ()
    %scan3A_30 = arith.constant 0 : i32
    %scan3A_31 = arith.constant 0 : i32
    %scan3A_32 = arith.constant 40 : i32
    %scan3A_33 = arith.addi %scan3A_31, %scan3A_32 : i32
    %scan3A_34 = arith.constant 1 : i32
    scf.for %scan3A_149 = %scan3A_31 to %scan3A_33 step %scan3A_34  : i32 {
      %mul3A_150 = arith.constant 16 : i32
      %mul3A_151 = arith.muli %scan3A_149, %mul3A_150 : i32
      %get3A = arith.index_cast %mul3A_151 : i32 to index
      %get3A_152 = tpu.vector_load %arg7[%get3A] {strides = array<i32>} : memref<640xf32, #tpu.memory_space<vmem>>, vector<16xf32>,
      %get3A_153 = arith.index_cast %mul3A_151 : i32 to index
      %get3A_154 = tpu.vector_load %arg8[%get3A_153] {strides = array<i32>} : memref<640xf32, #tpu.memory_space<vmem>>, vector<16xf32>,
      %add3A_155 = arith.addf %get3A_152, %get3A_154 : vector<16xf32>
      %swap3A = arith.index_cast %mul3A_151 : i32 to index
      %swap3A_156 = tpu.vector_load %arg7[%swap3A] {strides = array<i32>} : memref<640xf32, #tpu.memory_space<vmem>>, vector<16xf32>,
      tpu.vector_store %arg7[%swap3A], %add3A_155 {strides = array<i32>} : memref<640xf32, #tpu.memory_space<vmem>>, vector<16xf32>,
    }
    %scan3A_35 = arith.constant 40 : i32
    %mul3A_36 = arith.constant 640 : i32
    %mul3A_37 = arith.muli %arg1, %mul3A_36 : i32
    %run_scoped3A_38 = arith.constant 4 : i32
    "tpu.region"() ({
      %run_scoped3A_149 = tpu.sem_alloc : memref<!tpu.dma_semaphore, #tpu.memory_space<semaphore_mem>>
      %dma_start3A = tpu.memref_slice %arg9[%run_scoped3A_38, %mul3A_37] : memref<16x10240xf32, #tpu.memory_space<vmem_shared>> -> memref<1x640xf32, #tpu.memory_space<vmem_shared>>
      %dma_start3A_150 = tpu.memref_squeeze %dma_start3A : memref<1x640xf32, #tpu.memory_space<vmem_shared>> -> memref<640xf32, #tpu.memory_space<vmem_shared>>
      %dma_start3A_151 = tpu.memref_slice %arg9[%run_scoped3A_38, %mul3A_37] : memref<16x10240xf32, #tpu.memory_space<vmem_shared>> -> memref<1x640xf32, #tpu.memory_space<vmem_shared>>
      %dma_start3A_152 = tpu.memref_squeeze %dma_start3A_151 : memref<1x640xf32, #tpu.memory_space<vmem_shared>> -> memref<640xf32, #tpu.memory_space<vmem_shared>>
      tpu.enqueue_dma source(%dma_start3A_152 : memref<640xf32, #tpu.memory_space<vmem_shared>>) target(%arg8 : memref<640xf32, #tpu.memory_space<vmem>>) target_semaphore(%run_scoped3A_149 : memref<!tpu.dma_semaphore, #tpu.memory_space<semaphore_mem>>)
      %dma_wait3A = tpu.memref_slice %arg9[%run_scoped3A_38, %mul3A_37] : memref<16x10240xf32, #tpu.memory_space<vmem_shared>> -> memref<1x640xf32, #tpu.memory_space<vmem_shared>>
      %dma_wait3A_153 = tpu.memref_squeeze %dma_wait3A : memref<1x640xf32, #tpu.memory_space<vmem_shared>> -> memref<640xf32, #tpu.memory_space<vmem_shared>>
      %dma_wait3A_154 = tpu.memref_slice %arg9[%run_scoped3A_38, %mul3A_37] : memref<16x10240xf32, #tpu.memory_space<vmem_shared>> -> memref<1x640xf32, #tpu.memory_space<vmem_shared>>
      %dma_wait3A_155 = tpu.memref_squeeze %dma_wait3A_154 : memref<1x640xf32, #tpu.memory_space<vmem_shared>> -> memref<640xf32, #tpu.memory_space<vmem_shared>>
      tpu.wait_dma2 semaphore(%run_scoped3A_149 : memref<!tpu.dma_semaphore, #tpu.memory_space<semaphore_mem>>) src(%dma_wait3A_155 : memref<640xf32, #tpu.memory_space<vmem_shared>>) dst(%arg8 : memref<640xf32, #tpu.memory_space<vmem>>)
      tpu.yield
    }) : () -> ()
    %scan3A_39 = arith.constant 0 : i32
    %scan3A_40 = arith.constant 0 : i32
    %scan3A_41 = arith.constant 40 : i32
    %scan3A_42 = arith.addi %scan3A_40, %scan3A_41 : i32
    %scan3A_43 = arith.constant 1 : i32
    scf.for %scan3A_149 = %scan3A_40 to %scan3A_42 step %scan3A_43  : i32 {
      %mul3A_150 = arith.constant 16 : i32
      %mul3A_151 = arith.muli %scan3A_149, %mul3A_150 : i32
      %get3A = arith.index_cast %mul3A_151 : i32 to index
      %get3A_152 = tpu.vector_load %arg7[%get3A] {strides = array<i32>} : memref<640xf32, #tpu.memory_space<vmem>>, vector<16xf32>,
      %get3A_153 = arith.index_cast %mul3A_151 : i32 to index
      %get3A_154 = tpu.vector_load %arg8[%get3A_153] {strides = array<i32>} : memref<640xf32, #tpu.memory_space<vmem>>, vector<16xf32>,
      %add3A_155 = arith.addf %get3A_152, %get3A_154 : vector<16xf32>
      %swap3A = arith.index_cast %mul3A_151 : i32 to index
      %swap3A_156 = tpu.vector_load %arg7[%swap3A] {strides = array<i32>} : memref<640xf32, #tpu.memory_space<vmem>>, vector<16xf32>,
      tpu.vector_store %arg7[%swap3A], %add3A_155 {strides = array<i32>} : memref<640xf32, #tpu.memory_space<vmem>>, vector<16xf32>,
    }
    %scan3A_44 = arith.constant 40 : i32
    %mul3A_45 = arith.constant 640 : i32
    %mul3A_46 = arith.muli %arg1, %mul3A_45 : i32
    %run_scoped3A_47 = arith.constant 5 : i32
    "tpu.region"() ({
      %run_scoped3A_149 = tpu.sem_alloc : memref<!tpu.dma_semaphore, #tpu.memory_space<semaphore_mem>>
      %dma_start3A = tpu.memref_slice %arg9[%run_scoped3A_47, %mul3A_46] : memref<16x10240xf32, #tpu.memory_space<vmem_shared>> -> memref<1x640xf32, #tpu.memory_space<vmem_shared>>
      %dma_start3A_150 = tpu.memref_squeeze %dma_start3A : memref<1x640xf32, #tpu.memory_space<vmem_shared>> -> memref<640xf32, #tpu.memory_space<vmem_shared>>
      %dma_start3A_151 = tpu.memref_slice %arg9[%run_scoped3A_47, %mul3A_46] : memref<16x10240xf32, #tpu.memory_space<vmem_shared>> -> memref<1x640xf32, #tpu.memory_space<vmem_shared>>
      %dma_start3A_152 = tpu.memref_squeeze %dma_start3A_151 : memref<1x640xf32, #tpu.memory_space<vmem_shared>> -> memref<640xf32, #tpu.memory_space<vmem_shared>>
      tpu.enqueue_dma source(%dma_start3A_152 : memref<640xf32, #tpu.memory_space<vmem_shared>>) target(%arg8 : memref<640xf32, #tpu.memory_space<vmem>>) target_semaphore(%run_scoped3A_149 : memref<!tpu.dma_semaphore, #tpu.memory_space<semaphore_mem>>)
      %dma_wait3A = tpu.memref_slice %arg9[%run_scoped3A_47, %mul3A_46] : memref<16x10240xf32, #tpu.memory_space<vmem_shared>> -> memref<1x640xf32, #tpu.memory_space<vmem_shared>>
      %dma_wait3A_153 = tpu.memref_squeeze %dma_wait3A : memref<1x640xf32, #tpu.memory_space<vmem_shared>> -> memref<640xf32, #tpu.memory_space<vmem_shared>>
      %dma_wait3A_154 = tpu.memref_slice %arg9[%run_scoped3A_47, %mul3A_46] : memref<16x10240xf32, #tpu.memory_space<vmem_shared>> -> memref<1x640xf32, #tpu.memory_space<vmem_shared>>
      %dma_wait3A_155 = tpu.memref_squeeze %dma_wait3A_154 : memref<1x640xf32, #tpu.memory_space<vmem_shared>> -> memref<640xf32, #tpu.memory_space<vmem_shared>>
      tpu.wait_dma2 semaphore(%run_scoped3A_149 : memref<!tpu.dma_semaphore, #tpu.memory_space<semaphore_mem>>) src(%dma_wait3A_155 : memref<640xf32, #tpu.memory_space<vmem_shared>>) dst(%arg8 : memref<640xf32, #tpu.memory_space<vmem>>)
      tpu.yield
    }) : () -> ()
    %scan3A_48 = arith.constant 0 : i32
    %scan3A_49 = arith.constant 0 : i32
    %scan3A_50 = arith.constant 40 : i32
    %scan3A_51 = arith.addi %scan3A_49, %scan3A_50 : i32
    %scan3A_52 = arith.constant 1 : i32
    scf.for %scan3A_149 = %scan3A_49 to %scan3A_51 step %scan3A_52  : i32 {
      %mul3A_150 = arith.constant 16 : i32
      %mul3A_151 = arith.muli %scan3A_149, %mul3A_150 : i32
      %get3A = arith.index_cast %mul3A_151 : i32 to index
      %get3A_152 = tpu.vector_load %arg7[%get3A] {strides = array<i32>} : memref<640xf32, #tpu.memory_space<vmem>>, vector<16xf32>,
      %get3A_153 = arith.index_cast %mul3A_151 : i32 to index
      %get3A_154 = tpu.vector_load %arg8[%get3A_153] {strides = array<i32>} : memref<640xf32, #tpu.memory_space<vmem>>, vector<16xf32>,
      %add3A_155 = arith.addf %get3A_152, %get3A_154 : vector<16xf32>
      %swap3A = arith.index_cast %mul3A_151 : i32 to index
      %swap3A_156 = tpu.vector_load %arg7[%swap3A] {strides = array<i32>} : memref<640xf32, #tpu.memory_space<vmem>>, vector<16xf32>,
      tpu.vector_store %arg7[%swap3A], %add3A_155 {strides = array<i32>} : memref<640xf32, #tpu.memory_space<vmem>>, vector<16xf32>,
    }
    %scan3A_53 = arith.constant 40 : i32
    %mul3A_54 = arith.constant 640 : i32
    %mul3A_55 = arith.muli %arg1, %mul3A_54 : i32
    %run_scoped3A_56 = arith.constant 6 : i32
    "tpu.region"() ({
      %run_scoped3A_149 = tpu.sem_alloc : memref<!tpu.dma_semaphore, #tpu.memory_space<semaphore_mem>>
      %dma_start3A = tpu.memref_slice %arg9[%run_scoped3A_56, %mul3A_55] : memref<16x10240xf32, #tpu.memory_space<vmem_shared>> -> memref<1x640xf32, #tpu.memory_space<vmem_shared>>
      %dma_start3A_150 = tpu.memref_squeeze %dma_start3A : memref<1x640xf32, #tpu.memory_space<vmem_shared>> -> memref<640xf32, #tpu.memory_space<vmem_shared>>
      %dma_start3A_151 = tpu.memref_slice %arg9[%run_scoped3A_56, %mul3A_55] : memref<16x10240xf32, #tpu.memory_space<vmem_shared>> -> memref<1x640xf32, #tpu.memory_space<vmem_shared>>
      %dma_start3A_152 = tpu.memref_squeeze %dma_start3A_151 : memref<1x640xf32, #tpu.memory_space<vmem_shared>> -> memref<640xf32, #tpu.memory_space<vmem_shared>>
      tpu.enqueue_dma source(%dma_start3A_152 : memref<640xf32, #tpu.memory_space<vmem_shared>>) target(%arg8 : memref<640xf32, #tpu.memory_space<vmem>>) target_semaphore(%run_scoped3A_149 : memref<!tpu.dma_semaphore, #tpu.memory_space<semaphore_mem>>)
      %dma_wait3A = tpu.memref_slice %arg9[%run_scoped3A_56, %mul3A_55] : memref<16x10240xf32, #tpu.memory_space<vmem_shared>> -> memref<1x640xf32, #tpu.memory_space<vmem_shared>>
      %dma_wait3A_153 = tpu.memref_squeeze %dma_wait3A : memref<1x640xf32, #tpu.memory_space<vmem_shared>> -> memref<640xf32, #tpu.memory_space<vmem_shared>>
      %dma_wait3A_154 = tpu.memref_slice %arg9[%run_scoped3A_56, %mul3A_55] : memref<16x10240xf32, #tpu.memory_space<vmem_shared>> -> memref<1x640xf32, #tpu.memory_space<vmem_shared>>
      %dma_wait3A_155 = tpu.memref_squeeze %dma_wait3A_154 : memref<1x640xf32, #tpu.memory_space<vmem_shared>> -> memref<640xf32, #tpu.memory_space<vmem_shared>>
      tpu.wait_dma2 semaphore(%run_scoped3A_149 : memref<!tpu.dma_semaphore, #tpu.memory_space<semaphore_mem>>) src(%dma_wait3A_155 : memref<640xf32, #tpu.memory_space<vmem_shared>>) dst(%arg8 : memref<640xf32, #tpu.memory_space<vmem>>)
      tpu.yield
    }) : () -> ()
    %scan3A_57 = arith.constant 0 : i32
    %scan3A_58 = arith.constant 0 : i32
    %scan3A_59 = arith.constant 40 : i32
    %scan3A_60 = arith.addi %scan3A_58, %scan3A_59 : i32
    %scan3A_61 = arith.constant 1 : i32
    scf.for %scan3A_149 = %scan3A_58 to %scan3A_60 step %scan3A_61  : i32 {
      %mul3A_150 = arith.constant 16 : i32
      %mul3A_151 = arith.muli %scan3A_149, %mul3A_150 : i32
      %get3A = arith.index_cast %mul3A_151 : i32 to index
      %get3A_152 = tpu.vector_load %arg7[%get3A] {strides = array<i32>} : memref<640xf32, #tpu.memory_space<vmem>>, vector<16xf32>,
      %get3A_153 = arith.index_cast %mul3A_151 : i32 to index
      %get3A_154 = tpu.vector_load %arg8[%get3A_153] {strides = array<i32>} : memref<640xf32, #tpu.memory_space<vmem>>, vector<16xf32>,
      %add3A_155 = arith.addf %get3A_152, %get3A_154 : vector<16xf32>
      %swap3A = arith.index_cast %mul3A_151 : i32 to index
      %swap3A_156 = tpu.vector_load %arg7[%swap3A] {strides = array<i32>} : memref<640xf32, #tpu.memory_space<vmem>>, vector<16xf32>,
      tpu.vector_store %arg7[%swap3A], %add3A_155 {strides = array<i32>} : memref<640xf32, #tpu.memory_space<vmem>>, vector<16xf32>,
    }
    %scan3A_62 = arith.constant 40 : i32
    %mul3A_63 = arith.constant 640 : i32
    %mul3A_64 = arith.muli %arg1, %mul3A_63 : i32
    %run_scoped3A_65 = arith.constant 7 : i32
    "tpu.region"() ({
      %run_scoped3A_149 = tpu.sem_alloc : memref<!tpu.dma_semaphore, #tpu.memory_space<semaphore_mem>>
      %dma_start3A = tpu.memref_slice %arg9[%run_scoped3A_65, %mul3A_64] : memref<16x10240xf32, #tpu.memory_space<vmem_shared>> -> memref<1x640xf32, #tpu.memory_space<vmem_shared>>
      %dma_start3A_150 = tpu.memref_squeeze %dma_start3A : memref<1x640xf32, #tpu.memory_space<vmem_shared>> -> memref<640xf32, #tpu.memory_space<vmem_shared>>
      %dma_start3A_151 = tpu.memref_slice %arg9[%run_scoped3A_65, %mul3A_64] : memref<16x10240xf32, #tpu.memory_space<vmem_shared>> -> memref<1x640xf32, #tpu.memory_space<vmem_shared>>
      %dma_start3A_152 = tpu.memref_squeeze %dma_start3A_151 : memref<1x640xf32, #tpu.memory_space<vmem_shared>> -> memref<640xf32, #tpu.memory_space<vmem_shared>>
      tpu.enqueue_dma source(%dma_start3A_152 : memref<640xf32, #tpu.memory_space<vmem_shared>>) target(%arg8 : memref<640xf32, #tpu.memory_space<vmem>>) target_semaphore(%run_scoped3A_149 : memref<!tpu.dma_semaphore, #tpu.memory_space<semaphore_mem>>)
      %dma_wait3A = tpu.memref_slice %arg9[%run_scoped3A_65, %mul3A_64] : memref<16x10240xf32, #tpu.memory_space<vmem_shared>> -> memref<1x640xf32, #tpu.memory_space<vmem_shared>>
      %dma_wait3A_153 = tpu.memref_squeeze %dma_wait3A : memref<1x640xf32, #tpu.memory_space<vmem_shared>> -> memref<640xf32, #tpu.memory_space<vmem_shared>>
      %dma_wait3A_154 = tpu.memref_slice %arg9[%run_scoped3A_65, %mul3A_64] : memref<16x10240xf32, #tpu.memory_space<vmem_shared>> -> memref<1x640xf32, #tpu.memory_space<vmem_shared>>
      %dma_wait3A_155 = tpu.memref_squeeze %dma_wait3A_154 : memref<1x640xf32, #tpu.memory_space<vmem_shared>> -> memref<640xf32, #tpu.memory_space<vmem_shared>>
      tpu.wait_dma2 semaphore(%run_scoped3A_149 : memref<!tpu.dma_semaphore, #tpu.memory_space<semaphore_mem>>) src(%dma_wait3A_155 : memref<640xf32, #tpu.memory_space<vmem_shared>>) dst(%arg8 : memref<640xf32, #tpu.memory_space<vmem>>)
      tpu.yield
    }) : () -> ()
    %scan3A_66 = arith.constant 0 : i32
    %scan3A_67 = arith.constant 0 : i32
    %scan3A_68 = arith.constant 40 : i32
    %scan3A_69 = arith.addi %scan3A_67, %scan3A_68 : i32
    %scan3A_70 = arith.constant 1 : i32
    scf.for %scan3A_149 = %scan3A_67 to %scan3A_69 step %scan3A_70  : i32 {
      %mul3A_150 = arith.constant 16 : i32
      %mul3A_151 = arith.muli %scan3A_149, %mul3A_150 : i32
      %get3A = arith.index_cast %mul3A_151 : i32 to index
      %get3A_152 = tpu.vector_load %arg7[%get3A] {strides = array<i32>} : memref<640xf32, #tpu.memory_space<vmem>>, vector<16xf32>,
      %get3A_153 = arith.index_cast %mul3A_151 : i32 to index
      %get3A_154 = tpu.vector_load %arg8[%get3A_153] {strides = array<i32>} : memref<640xf32, #tpu.memory_space<vmem>>, vector<16xf32>,
      %add3A_155 = arith.addf %get3A_152, %get3A_154 : vector<16xf32>
      %swap3A = arith.index_cast %mul3A_151 : i32 to index
      %swap3A_156 = tpu.vector_load %arg7[%swap3A] {strides = array<i32>} : memref<640xf32, #tpu.memory_space<vmem>>, vector<16xf32>,
      tpu.vector_store %arg7[%swap3A], %add3A_155 {strides = array<i32>} : memref<640xf32, #tpu.memory_space<vmem>>, vector<16xf32>,
    }
    %scan3A_71 = arith.constant 40 : i32
    %mul3A_72 = arith.constant 640 : i32
    %mul3A_73 = arith.muli %arg1, %mul3A_72 : i32
    %run_scoped3A_74 = arith.constant 8 : i32
    "tpu.region"() ({
      %run_scoped3A_149 = tpu.sem_alloc : memref<!tpu.dma_semaphore, #tpu.memory_space<semaphore_mem>>
      %dma_start3A = tpu.memref_slice %arg9[%run_scoped3A_74, %mul3A_73] : memref<16x10240xf32, #tpu.memory_space<vmem_shared>> -> memref<1x640xf32, #tpu.memory_space<vmem_shared>>
      %dma_start3A_150 = tpu.memref_squeeze %dma_start3A : memref<1x640xf32, #tpu.memory_space<vmem_shared>> -> memref<640xf32, #tpu.memory_space<vmem_shared>>
      %dma_start3A_151 = tpu.memref_slice %arg9[%run_scoped3A_74, %mul3A_73] : memref<16x10240xf32, #tpu.memory_space<vmem_shared>> -> memref<1x640xf32, #tpu.memory_space<vmem_shared>>
      %dma_start3A_152 = tpu.memref_squeeze %dma_start3A_151 : memref<1x640xf32, #tpu.memory_space<vmem_shared>> -> memref<640xf32, #tpu.memory_space<vmem_shared>>
      tpu.enqueue_dma source(%dma_start3A_152 : memref<640xf32, #tpu.memory_space<vmem_shared>>) target(%arg8 : memref<640xf32, #tpu.memory_space<vmem>>) target_semaphore(%run_scoped3A_149 : memref<!tpu.dma_semaphore, #tpu.memory_space<semaphore_mem>>)
      %dma_wait3A = tpu.memref_slice %arg9[%run_scoped3A_74, %mul3A_73] : memref<16x10240xf32, #tpu.memory_space<vmem_shared>> -> memref<1x640xf32, #tpu.memory_space<vmem_shared>>
      %dma_wait3A_153 = tpu.memref_squeeze %dma_wait3A : memref<1x640xf32, #tpu.memory_space<vmem_shared>> -> memref<640xf32, #tpu.memory_space<vmem_shared>>
      %dma_wait3A_154 = tpu.memref_slice %arg9[%run_scoped3A_74, %mul3A_73] : memref<16x10240xf32, #tpu.memory_space<vmem_shared>> -> memref<1x640xf32, #tpu.memory_space<vmem_shared>>
      %dma_wait3A_155 = tpu.memref_squeeze %dma_wait3A_154 : memref<1x640xf32, #tpu.memory_space<vmem_shared>> -> memref<640xf32, #tpu.memory_space<vmem_shared>>
      tpu.wait_dma2 semaphore(%run_scoped3A_149 : memref<!tpu.dma_semaphore, #tpu.memory_space<semaphore_mem>>) src(%dma_wait3A_155 : memref<640xf32, #tpu.memory_space<vmem_shared>>) dst(%arg8 : memref<640xf32, #tpu.memory_space<vmem>>)
      tpu.yield
    }) : () -> ()
    %scan3A_75 = arith.constant 0 : i32
    %scan3A_76 = arith.constant 0 : i32
    %scan3A_77 = arith.constant 40 : i32
    %scan3A_78 = arith.addi %scan3A_76, %scan3A_77 : i32
    %scan3A_79 = arith.constant 1 : i32
    scf.for %scan3A_149 = %scan3A_76 to %scan3A_78 step %scan3A_79  : i32 {
      %mul3A_150 = arith.constant 16 : i32
      %mul3A_151 = arith.muli %scan3A_149, %mul3A_150 : i32
      %get3A = arith.index_cast %mul3A_151 : i32 to index
      %get3A_152 = tpu.vector_load %arg7[%get3A] {strides = array<i32>} : memref<640xf32, #tpu.memory_space<vmem>>, vector<16xf32>,
      %get3A_153 = arith.index_cast %mul3A_151 : i32 to index
      %get3A_154 = tpu.vector_load %arg8[%get3A_153] {strides = array<i32>} : memref<640xf32, #tpu.memory_space<vmem>>, vector<16xf32>,
      %add3A_155 = arith.addf %get3A_152, %get3A_154 : vector<16xf32>
      %swap3A = arith.index_cast %mul3A_151 : i32 to index
      %swap3A_156 = tpu.vector_load %arg7[%swap3A] {strides = array<i32>} : memref<640xf32, #tpu.memory_space<vmem>>, vector<16xf32>,
      tpu.vector_store %arg7[%swap3A], %add3A_155 {strides = array<i32>} : memref<640xf32, #tpu.memory_space<vmem>>, vector<16xf32>,
    }
    %scan3A_80 = arith.constant 40 : i32
    %mul3A_81 = arith.constant 640 : i32
    %mul3A_82 = arith.muli %arg1, %mul3A_81 : i32
    %run_scoped3A_83 = arith.constant 9 : i32
    "tpu.region"() ({
      %run_scoped3A_149 = tpu.sem_alloc : memref<!tpu.dma_semaphore, #tpu.memory_space<semaphore_mem>>
      %dma_start3A = tpu.memref_slice %arg9[%run_scoped3A_83, %mul3A_82] : memref<16x10240xf32, #tpu.memory_space<vmem_shared>> -> memref<1x640xf32, #tpu.memory_space<vmem_shared>>
      %dma_start3A_150 = tpu.memref_squeeze %dma_start3A : memref<1x640xf32, #tpu.memory_space<vmem_shared>> -> memref<640xf32, #tpu.memory_space<vmem_shared>>
      %dma_start3A_151 = tpu.memref_slice %arg9[%run_scoped3A_83, %mul3A_82] : memref<16x10240xf32, #tpu.memory_space<vmem_shared>> -> memref<1x640xf32, #tpu.memory_space<vmem_shared>>
      %dma_start3A_152 = tpu.memref_squeeze %dma_start3A_151 : memref<1x640xf32, #tpu.memory_space<vmem_shared>> -> memref<640xf32, #tpu.memory_space<vmem_shared>>
      tpu.enqueue_dma source(%dma_start3A_152 : memref<640xf32, #tpu.memory_space<vmem_shared>>) target(%arg8 : memref<640xf32, #tpu.memory_space<vmem>>) target_semaphore(%run_scoped3A_149 : memref<!tpu.dma_semaphore, #tpu.memory_space<semaphore_mem>>)
      %dma_wait3A = tpu.memref_slice %arg9[%run_scoped3A_83, %mul3A_82] : memref<16x10240xf32, #tpu.memory_space<vmem_shared>> -> memref<1x640xf32, #tpu.memory_space<vmem_shared>>
      %dma_wait3A_153 = tpu.memref_squeeze %dma_wait3A : memref<1x640xf32, #tpu.memory_space<vmem_shared>> -> memref<640xf32, #tpu.memory_space<vmem_shared>>
      %dma_wait3A_154 = tpu.memref_slice %arg9[%run_scoped3A_83, %mul3A_82] : memref<16x10240xf32, #tpu.memory_space<vmem_shared>> -> memref<1x640xf32, #tpu.memory_space<vmem_shared>>
      %dma_wait3A_155 = tpu.memref_squeeze %dma_wait3A_154 : memref<1x640xf32, #tpu.memory_space<vmem_shared>> -> memref<640xf32, #tpu.memory_space<vmem_shared>>
      tpu.wait_dma2 semaphore(%run_scoped3A_149 : memref<!tpu.dma_semaphore, #tpu.memory_space<semaphore_mem>>) src(%dma_wait3A_155 : memref<640xf32, #tpu.memory_space<vmem_shared>>) dst(%arg8 : memref<640xf32, #tpu.memory_space<vmem>>)
      tpu.yield
    }) : () -> ()
    %scan3A_84 = arith.constant 0 : i32
    %scan3A_85 = arith.constant 0 : i32
    %scan3A_86 = arith.constant 40 : i32
    %scan3A_87 = arith.addi %scan3A_85, %scan3A_86 : i32
    %scan3A_88 = arith.constant 1 : i32
    scf.for %scan3A_149 = %scan3A_85 to %scan3A_87 step %scan3A_88  : i32 {
      %mul3A_150 = arith.constant 16 : i32
      %mul3A_151 = arith.muli %scan3A_149, %mul3A_150 : i32
      %get3A = arith.index_cast %mul3A_151 : i32 to index
      %get3A_152 = tpu.vector_load %arg7[%get3A] {strides = array<i32>} : memref<640xf32, #tpu.memory_space<vmem>>, vector<16xf32>,
      %get3A_153 = arith.index_cast %mul3A_151 : i32 to index
      %get3A_154 = tpu.vector_load %arg8[%get3A_153] {strides = array<i32>} : memref<640xf32, #tpu.memory_space<vmem>>, vector<16xf32>,
      %add3A_155 = arith.addf %get3A_152, %get3A_154 : vector<16xf32>
      %swap3A = arith.index_cast %mul3A_151 : i32 to index
      %swap3A_156 = tpu.vector_load %arg7[%swap3A] {strides = array<i32>} : memref<640xf32, #tpu.memory_space<vmem>>, vector<16xf32>,
      tpu.vector_store %arg7[%swap3A], %add3A_155 {strides = array<i32>} : memref<640xf32, #tpu.memory_space<vmem>>, vector<16xf32>,
    }
    %scan3A_89 = arith.constant 40 : i32
    %mul3A_90 = arith.constant 640 : i32
    %mul3A_91 = arith.muli %arg1, %mul3A_90 : i32
    %run_scoped3A_92 = arith.constant 10 : i32
    "tpu.region"() ({
      %run_scoped3A_149 = tpu.sem_alloc : memref<!tpu.dma_semaphore, #tpu.memory_space<semaphore_mem>>
      %dma_start3A = tpu.memref_slice %arg9[%run_scoped3A_92, %mul3A_91] : memref<16x10240xf32, #tpu.memory_space<vmem_shared>> -> memref<1x640xf32, #tpu.memory_space<vmem_shared>>
      %dma_start3A_150 = tpu.memref_squeeze %dma_start3A : memref<1x640xf32, #tpu.memory_space<vmem_shared>> -> memref<640xf32, #tpu.memory_space<vmem_shared>>
      %dma_start3A_151 = tpu.memref_slice %arg9[%run_scoped3A_92, %mul3A_91] : memref<16x10240xf32, #tpu.memory_space<vmem_shared>> -> memref<1x640xf32, #tpu.memory_space<vmem_shared>>
      %dma_start3A_152 = tpu.memref_squeeze %dma_start3A_151 : memref<1x640xf32, #tpu.memory_space<vmem_shared>> -> memref<640xf32, #tpu.memory_space<vmem_shared>>
      tpu.enqueue_dma source(%dma_start3A_152 : memref<640xf32, #tpu.memory_space<vmem_shared>>) target(%arg8 : memref<640xf32, #tpu.memory_space<vmem>>) target_semaphore(%run_scoped3A_149 : memref<!tpu.dma_semaphore, #tpu.memory_space<semaphore_mem>>)
      %dma_wait3A = tpu.memref_slice %arg9[%run_scoped3A_92, %mul3A_91] : memref<16x10240xf32, #tpu.memory_space<vmem_shared>> -> memref<1x640xf32, #tpu.memory_space<vmem_shared>>
      %dma_wait3A_153 = tpu.memref_squeeze %dma_wait3A : memref<1x640xf32, #tpu.memory_space<vmem_shared>> -> memref<640xf32, #tpu.memory_space<vmem_shared>>
      %dma_wait3A_154 = tpu.memref_slice %arg9[%run_scoped3A_92, %mul3A_91] : memref<16x10240xf32, #tpu.memory_space<vmem_shared>> -> memref<1x640xf32, #tpu.memory_space<vmem_shared>>
      %dma_wait3A_155 = tpu.memref_squeeze %dma_wait3A_154 : memref<1x640xf32, #tpu.memory_space<vmem_shared>> -> memref<640xf32, #tpu.memory_space<vmem_shared>>
      tpu.wait_dma2 semaphore(%run_scoped3A_149 : memref<!tpu.dma_semaphore, #tpu.memory_space<semaphore_mem>>) src(%dma_wait3A_155 : memref<640xf32, #tpu.memory_space<vmem_shared>>) dst(%arg8 : memref<640xf32, #tpu.memory_space<vmem>>)
      tpu.yield
    }) : () -> ()
    %scan3A_93 = arith.constant 0 : i32
    %scan3A_94 = arith.constant 0 : i32
    %scan3A_95 = arith.constant 40 : i32
    %scan3A_96 = arith.addi %scan3A_94, %scan3A_95 : i32
    %scan3A_97 = arith.constant 1 : i32
    scf.for %scan3A_149 = %scan3A_94 to %scan3A_96 step %scan3A_97  : i32 {
      %mul3A_150 = arith.constant 16 : i32
      %mul3A_151 = arith.muli %scan3A_149, %mul3A_150 : i32
      %get3A = arith.index_cast %mul3A_151 : i32 to index
      %get3A_152 = tpu.vector_load %arg7[%get3A] {strides = array<i32>} : memref<640xf32, #tpu.memory_space<vmem>>, vector<16xf32>,
      %get3A_153 = arith.index_cast %mul3A_151 : i32 to index
      %get3A_154 = tpu.vector_load %arg8[%get3A_153] {strides = array<i32>} : memref<640xf32, #tpu.memory_space<vmem>>, vector<16xf32>,
      %add3A_155 = arith.addf %get3A_152, %get3A_154 : vector<16xf32>
      %swap3A = arith.index_cast %mul3A_151 : i32 to index
      %swap3A_156 = tpu.vector_load %arg7[%swap3A] {strides = array<i32>} : memref<640xf32, #tpu.memory_space<vmem>>, vector<16xf32>,
      tpu.vector_store %arg7[%swap3A], %add3A_155 {strides = array<i32>} : memref<640xf32, #tpu.memory_space<vmem>>, vector<16xf32>,
    }
    %scan3A_98 = arith.constant 40 : i32
    %mul3A_99 = arith.constant 640 : i32
    %mul3A_100 = arith.muli %arg1, %mul3A_99 : i32
    %run_scoped3A_101 = arith.constant 11 : i32
    "tpu.region"() ({
      %run_scoped3A_149 = tpu.sem_alloc : memref<!tpu.dma_semaphore, #tpu.memory_space<semaphore_mem>>
      %dma_start3A = tpu.memref_slice %arg9[%run_scoped3A_101, %mul3A_100] : memref<16x10240xf32, #tpu.memory_space<vmem_shared>> -> memref<1x640xf32, #tpu.memory_space<vmem_shared>>
      %dma_start3A_150 = tpu.memref_squeeze %dma_start3A : memref<1x640xf32, #tpu.memory_space<vmem_shared>> -> memref<640xf32, #tpu.memory_space<vmem_shared>>
      %dma_start3A_151 = tpu.memref_slice %arg9[%run_scoped3A_101, %mul3A_100] : memref<16x10240xf32, #tpu.memory_space<vmem_shared>> -> memref<1x640xf32, #tpu.memory_space<vmem_shared>>
      %dma_start3A_152 = tpu.memref_squeeze %dma_start3A_151 : memref<1x640xf32, #tpu.memory_space<vmem_shared>> -> memref<640xf32, #tpu.memory_space<vmem_shared>>
      tpu.enqueue_dma source(%dma_start3A_152 : memref<640xf32, #tpu.memory_space<vmem_shared>>) target(%arg8 : memref<640xf32, #tpu.memory_space<vmem>>) target_semaphore(%run_scoped3A_149 : memref<!tpu.dma_semaphore, #tpu.memory_space<semaphore_mem>>)
      %dma_wait3A = tpu.memref_slice %arg9[%run_scoped3A_101, %mul3A_100] : memref<16x10240xf32, #tpu.memory_space<vmem_shared>> -> memref<1x640xf32, #tpu.memory_space<vmem_shared>>
      %dma_wait3A_153 = tpu.memref_squeeze %dma_wait3A : memref<1x640xf32, #tpu.memory_space<vmem_shared>> -> memref<640xf32, #tpu.memory_space<vmem_shared>>
      %dma_wait3A_154 = tpu.memref_slice %arg9[%run_scoped3A_101, %mul3A_100] : memref<16x10240xf32, #tpu.memory_space<vmem_shared>> -> memref<1x640xf32, #tpu.memory_space<vmem_shared>>
      %dma_wait3A_155 = tpu.memref_squeeze %dma_wait3A_154 : memref<1x640xf32, #tpu.memory_space<vmem_shared>> -> memref<640xf32, #tpu.memory_space<vmem_shared>>
      tpu.wait_dma2 semaphore(%run_scoped3A_149 : memref<!tpu.dma_semaphore, #tpu.memory_space<semaphore_mem>>) src(%dma_wait3A_155 : memref<640xf32, #tpu.memory_space<vmem_shared>>) dst(%arg8 : memref<640xf32, #tpu.memory_space<vmem>>)
      tpu.yield
    }) : () -> ()
    %scan3A_102 = arith.constant 0 : i32
    %scan3A_103 = arith.constant 0 : i32
    %scan3A_104 = arith.constant 40 : i32
    %scan3A_105 = arith.addi %scan3A_103, %scan3A_104 : i32
    %scan3A_106 = arith.constant 1 : i32
    scf.for %scan3A_149 = %scan3A_103 to %scan3A_105 step %scan3A_106  : i32 {
      %mul3A_150 = arith.constant 16 : i32
      %mul3A_151 = arith.muli %scan3A_149, %mul3A_150 : i32
      %get3A = arith.index_cast %mul3A_151 : i32 to index
      %get3A_152 = tpu.vector_load %arg7[%get3A] {strides = array<i32>} : memref<640xf32, #tpu.memory_space<vmem>>, vector<16xf32>,
      %get3A_153 = arith.index_cast %mul3A_151 : i32 to index
      %get3A_154 = tpu.vector_load %arg8[%get3A_153] {strides = array<i32>} : memref<640xf32, #tpu.memory_space<vmem>>, vector<16xf32>,
      %add3A_155 = arith.addf %get3A_152, %get3A_154 : vector<16xf32>
      %swap3A = arith.index_cast %mul3A_151 : i32 to index
      %swap3A_156 = tpu.vector_load %arg7[%swap3A] {strides = array<i32>} : memref<640xf32, #tpu.memory_space<vmem>>, vector<16xf32>,
      tpu.vector_store %arg7[%swap3A], %add3A_155 {strides = array<i32>} : memref<640xf32, #tpu.memory_space<vmem>>, vector<16xf32>,
    }
    %scan3A_107 = arith.constant 40 : i32
    %mul3A_108 = arith.constant 640 : i32
    %mul3A_109 = arith.muli %arg1, %mul3A_108 : i32
    %run_scoped3A_110 = arith.constant 12 : i32
    "tpu.region"() ({
      %run_scoped3A_149 = tpu.sem_alloc : memref<!tpu.dma_semaphore, #tpu.memory_space<semaphore_mem>>
      %dma_start3A = tpu.memref_slice %arg9[%run_scoped3A_110, %mul3A_109] : memref<16x10240xf32, #tpu.memory_space<vmem_shared>> -> memref<1x640xf32, #tpu.memory_space<vmem_shared>>
      %dma_start3A_150 = tpu.memref_squeeze %dma_start3A : memref<1x640xf32, #tpu.memory_space<vmem_shared>> -> memref<640xf32, #tpu.memory_space<vmem_shared>>
      %dma_start3A_151 = tpu.memref_slice %arg9[%run_scoped3A_110, %mul3A_109] : memref<16x10240xf32, #tpu.memory_space<vmem_shared>> -> memref<1x640xf32, #tpu.memory_space<vmem_shared>>
      %dma_start3A_152 = tpu.memref_squeeze %dma_start3A_151 : memref<1x640xf32, #tpu.memory_space<vmem_shared>> -> memref<640xf32, #tpu.memory_space<vmem_shared>>
      tpu.enqueue_dma source(%dma_start3A_152 : memref<640xf32, #tpu.memory_space<vmem_shared>>) target(%arg8 : memref<640xf32, #tpu.memory_space<vmem>>) target_semaphore(%run_scoped3A_149 : memref<!tpu.dma_semaphore, #tpu.memory_space<semaphore_mem>>)
      %dma_wait3A = tpu.memref_slice %arg9[%run_scoped3A_110, %mul3A_109] : memref<16x10240xf32, #tpu.memory_space<vmem_shared>> -> memref<1x640xf32, #tpu.memory_space<vmem_shared>>
      %dma_wait3A_153 = tpu.memref_squeeze %dma_wait3A : memref<1x640xf32, #tpu.memory_space<vmem_shared>> -> memref<640xf32, #tpu.memory_space<vmem_shared>>
      %dma_wait3A_154 = tpu.memref_slice %arg9[%run_scoped3A_110, %mul3A_109] : memref<16x10240xf32, #tpu.memory_space<vmem_shared>> -> memref<1x640xf32, #tpu.memory_space<vmem_shared>>
      %dma_wait3A_155 = tpu.memref_squeeze %dma_wait3A_154 : memref<1x640xf32, #tpu.memory_space<vmem_shared>> -> memref<640xf32, #tpu.memory_space<vmem_shared>>
      tpu.wait_dma2 semaphore(%run_scoped3A_149 : memref<!tpu.dma_semaphore, #tpu.memory_space<semaphore_mem>>) src(%dma_wait3A_155 : memref<640xf32, #tpu.memory_space<vmem_shared>>) dst(%arg8 : memref<640xf32, #tpu.memory_space<vmem>>)
      tpu.yield
    }) : () -> ()
    %scan3A_111 = arith.constant 0 : i32
    %scan3A_112 = arith.constant 0 : i32
    %scan3A_113 = arith.constant 40 : i32
    %scan3A_114 = arith.addi %scan3A_112, %scan3A_113 : i32
    %scan3A_115 = arith.constant 1 : i32
    scf.for %scan3A_149 = %scan3A_112 to %scan3A_114 step %scan3A_115  : i32 {
      %mul3A_150 = arith.constant 16 : i32
      %mul3A_151 = arith.muli %scan3A_149, %mul3A_150 : i32
      %get3A = arith.index_cast %mul3A_151 : i32 to index
      %get3A_152 = tpu.vector_load %arg7[%get3A] {strides = array<i32>} : memref<640xf32, #tpu.memory_space<vmem>>, vector<16xf32>,
      %get3A_153 = arith.index_cast %mul3A_151 : i32 to index
      %get3A_154 = tpu.vector_load %arg8[%get3A_153] {strides = array<i32>} : memref<640xf32, #tpu.memory_space<vmem>>, vector<16xf32>,
      %add3A_155 = arith.addf %get3A_152, %get3A_154 : vector<16xf32>
      %swap3A = arith.index_cast %mul3A_151 : i32 to index
      %swap3A_156 = tpu.vector_load %arg7[%swap3A] {strides = array<i32>} : memref<640xf32, #tpu.memory_space<vmem>>, vector<16xf32>,
      tpu.vector_store %arg7[%swap3A], %add3A_155 {strides = array<i32>} : memref<640xf32, #tpu.memory_space<vmem>>, vector<16xf32>,
    }
    %scan3A_116 = arith.constant 40 : i32
    %mul3A_117 = arith.constant 640 : i32
    %mul3A_118 = arith.muli %arg1, %mul3A_117 : i32
    %run_scoped3A_119 = arith.constant 13 : i32
    "tpu.region"() ({
      %run_scoped3A_149 = tpu.sem_alloc : memref<!tpu.dma_semaphore, #tpu.memory_space<semaphore_mem>>
      %dma_start3A = tpu.memref_slice %arg9[%run_scoped3A_119, %mul3A_118] : memref<16x10240xf32, #tpu.memory_space<vmem_shared>> -> memref<1x640xf32, #tpu.memory_space<vmem_shared>>
      %dma_start3A_150 = tpu.memref_squeeze %dma_start3A : memref<1x640xf32, #tpu.memory_space<vmem_shared>> -> memref<640xf32, #tpu.memory_space<vmem_shared>>
      %dma_start3A_151 = tpu.memref_slice %arg9[%run_scoped3A_119, %mul3A_118] : memref<16x10240xf32, #tpu.memory_space<vmem_shared>> -> memref<1x640xf32, #tpu.memory_space<vmem_shared>>
      %dma_start3A_152 = tpu.memref_squeeze %dma_start3A_151 : memref<1x640xf32, #tpu.memory_space<vmem_shared>> -> memref<640xf32, #tpu.memory_space<vmem_shared>>
      tpu.enqueue_dma source(%dma_start3A_152 : memref<640xf32, #tpu.memory_space<vmem_shared>>) target(%arg8 : memref<640xf32, #tpu.memory_space<vmem>>) target_semaphore(%run_scoped3A_149 : memref<!tpu.dma_semaphore, #tpu.memory_space<semaphore_mem>>)
      %dma_wait3A = tpu.memref_slice %arg9[%run_scoped3A_119, %mul3A_118] : memref<16x10240xf32, #tpu.memory_space<vmem_shared>> -> memref<1x640xf32, #tpu.memory_space<vmem_shared>>
      %dma_wait3A_153 = tpu.memref_squeeze %dma_wait3A : memref<1x640xf32, #tpu.memory_space<vmem_shared>> -> memref<640xf32, #tpu.memory_space<vmem_shared>>
      %dma_wait3A_154 = tpu.memref_slice %arg9[%run_scoped3A_119, %mul3A_118] : memref<16x10240xf32, #tpu.memory_space<vmem_shared>> -> memref<1x640xf32, #tpu.memory_space<vmem_shared>>
      %dma_wait3A_155 = tpu.memref_squeeze %dma_wait3A_154 : memref<1x640xf32, #tpu.memory_space<vmem_shared>> -> memref<640xf32, #tpu.memory_space<vmem_shared>>
      tpu.wait_dma2 semaphore(%run_scoped3A_149 : memref<!tpu.dma_semaphore, #tpu.memory_space<semaphore_mem>>) src(%dma_wait3A_155 : memref<640xf32, #tpu.memory_space<vmem_shared>>) dst(%arg8 : memref<640xf32, #tpu.memory_space<vmem>>)
      tpu.yield
    }) : () -> ()
    %scan3A_120 = arith.constant 0 : i32
    %scan3A_121 = arith.constant 0 : i32
    %scan3A_122 = arith.constant 40 : i32
    %scan3A_123 = arith.addi %scan3A_121, %scan3A_122 : i32
    %scan3A_124 = arith.constant 1 : i32
    scf.for %scan3A_149 = %scan3A_121 to %scan3A_123 step %scan3A_124  : i32 {
      %mul3A_150 = arith.constant 16 : i32
      %mul3A_151 = arith.muli %scan3A_149, %mul3A_150 : i32
      %get3A = arith.index_cast %mul3A_151 : i32 to index
      %get3A_152 = tpu.vector_load %arg7[%get3A] {strides = array<i32>} : memref<640xf32, #tpu.memory_space<vmem>>, vector<16xf32>,
      %get3A_153 = arith.index_cast %mul3A_151 : i32 to index
      %get3A_154 = tpu.vector_load %arg8[%get3A_153] {strides = array<i32>} : memref<640xf32, #tpu.memory_space<vmem>>, vector<16xf32>,
      %add3A_155 = arith.addf %get3A_152, %get3A_154 : vector<16xf32>
      %swap3A = arith.index_cast %mul3A_151 : i32 to index
      %swap3A_156 = tpu.vector_load %arg7[%swap3A] {strides = array<i32>} : memref<640xf32, #tpu.memory_space<vmem>>, vector<16xf32>,
      tpu.vector_store %arg7[%swap3A], %add3A_155 {strides = array<i32>} : memref<640xf32, #tpu.memory_space<vmem>>, vector<16xf32>,
    }
    %scan3A_125 = arith.constant 40 : i32
    %mul3A_126 = arith.constant 640 : i32
    %mul3A_127 = arith.muli %arg1, %mul3A_126 : i32
    %run_scoped3A_128 = arith.constant 14 : i32
    "tpu.region"() ({
      %run_scoped3A_149 = tpu.sem_alloc : memref<!tpu.dma_semaphore, #tpu.memory_space<semaphore_mem>>
      %dma_start3A = tpu.memref_slice %arg9[%run_scoped3A_128, %mul3A_127] : memref<16x10240xf32, #tpu.memory_space<vmem_shared>> -> memref<1x640xf32, #tpu.memory_space<vmem_shared>>
      %dma_start3A_150 = tpu.memref_squeeze %dma_start3A : memref<1x640xf32, #tpu.memory_space<vmem_shared>> -> memref<640xf32, #tpu.memory_space<vmem_shared>>
      %dma_start3A_151 = tpu.memref_slice %arg9[%run_scoped3A_128, %mul3A_127] : memref<16x10240xf32, #tpu.memory_space<vmem_shared>> -> memref<1x640xf32, #tpu.memory_space<vmem_shared>>
      %dma_start3A_152 = tpu.memref_squeeze %dma_start3A_151 : memref<1x640xf32, #tpu.memory_space<vmem_shared>> -> memref<640xf32, #tpu.memory_space<vmem_shared>>
      tpu.enqueue_dma source(%dma_start3A_152 : memref<640xf32, #tpu.memory_space<vmem_shared>>) target(%arg8 : memref<640xf32, #tpu.memory_space<vmem>>) target_semaphore(%run_scoped3A_149 : memref<!tpu.dma_semaphore, #tpu.memory_space<semaphore_mem>>)
      %dma_wait3A = tpu.memref_slice %arg9[%run_scoped3A_128, %mul3A_127] : memref<16x10240xf32, #tpu.memory_space<vmem_shared>> -> memref<1x640xf32, #tpu.memory_space<vmem_shared>>
      %dma_wait3A_153 = tpu.memref_squeeze %dma_wait3A : memref<1x640xf32, #tpu.memory_space<vmem_shared>> -> memref<640xf32, #tpu.memory_space<vmem_shared>>
      %dma_wait3A_154 = tpu.memref_slice %arg9[%run_scoped3A_128, %mul3A_127] : memref<16x10240xf32, #tpu.memory_space<vmem_shared>> -> memref<1x640xf32, #tpu.memory_space<vmem_shared>>
      %dma_wait3A_155 = tpu.memref_squeeze %dma_wait3A_154 : memref<1x640xf32, #tpu.memory_space<vmem_shared>> -> memref<640xf32, #tpu.memory_space<vmem_shared>>
      tpu.wait_dma2 semaphore(%run_scoped3A_149 : memref<!tpu.dma_semaphore, #tpu.memory_space<semaphore_mem>>) src(%dma_wait3A_155 : memref<640xf32, #tpu.memory_space<vmem_shared>>) dst(%arg8 : memref<640xf32, #tpu.memory_space<vmem>>)
      tpu.yield
    }) : () -> ()
    %scan3A_129 = arith.constant 0 : i32
    %scan3A_130 = arith.constant 0 : i32
    %scan3A_131 = arith.constant 40 : i32
    %scan3A_132 = arith.addi %scan3A_130, %scan3A_131 : i32
    %scan3A_133 = arith.constant 1 : i32
    scf.for %scan3A_149 = %scan3A_130 to %scan3A_132 step %scan3A_133  : i32 {
      %mul3A_150 = arith.constant 16 : i32
      %mul3A_151 = arith.muli %scan3A_149, %mul3A_150 : i32
      %get3A = arith.index_cast %mul3A_151 : i32 to index
      %get3A_152 = tpu.vector_load %arg7[%get3A] {strides = array<i32>} : memref<640xf32, #tpu.memory_space<vmem>>, vector<16xf32>,
      %get3A_153 = arith.index_cast %mul3A_151 : i32 to index
      %get3A_154 = tpu.vector_load %arg8[%get3A_153] {strides = array<i32>} : memref<640xf32, #tpu.memory_space<vmem>>, vector<16xf32>,
      %add3A_155 = arith.addf %get3A_152, %get3A_154 : vector<16xf32>
      %swap3A = arith.index_cast %mul3A_151 : i32 to index
      %swap3A_156 = tpu.vector_load %arg7[%swap3A] {strides = array<i32>} : memref<640xf32, #tpu.memory_space<vmem>>, vector<16xf32>,
      tpu.vector_store %arg7[%swap3A], %add3A_155 {strides = array<i32>} : memref<640xf32, #tpu.memory_space<vmem>>, vector<16xf32>,
    }
    %scan3A_134 = arith.constant 40 : i32
    %mul3A_135 = arith.constant 640 : i32
    %mul3A_136 = arith.muli %arg1, %mul3A_135 : i32
    %run_scoped3A_137 = arith.constant 15 : i32
    "tpu.region"() ({
      %run_scoped3A_149 = tpu.sem_alloc : memref<!tpu.dma_semaphore, #tpu.memory_space<semaphore_mem>>
      %dma_start3A = tpu.memref_slice %arg9[%run_scoped3A_137, %mul3A_136] : memref<16x10240xf32, #tpu.memory_space<vmem_shared>> -> memref<1x640xf32, #tpu.memory_space<vmem_shared>>
      %dma_start3A_150 = tpu.memref_squeeze %dma_start3A : memref<1x640xf32, #tpu.memory_space<vmem_shared>> -> memref<640xf32, #tpu.memory_space<vmem_shared>>
      %dma_start3A_151 = tpu.memref_slice %arg9[%run_scoped3A_137, %mul3A_136] : memref<16x10240xf32, #tpu.memory_space<vmem_shared>> -> memref<1x640xf32, #tpu.memory_space<vmem_shared>>
      %dma_start3A_152 = tpu.memref_squeeze %dma_start3A_151 : memref<1x640xf32, #tpu.memory_space<vmem_shared>> -> memref<640xf32, #tpu.memory_space<vmem_shared>>
      tpu.enqueue_dma source(%dma_start3A_152 : memref<640xf32, #tpu.memory_space<vmem_shared>>) target(%arg8 : memref<640xf32, #tpu.memory_space<vmem>>) target_semaphore(%run_scoped3A_149 : memref<!tpu.dma_semaphore, #tpu.memory_space<semaphore_mem>>)
      %dma_wait3A = tpu.memref_slice %arg9[%run_scoped3A_137, %mul3A_136] : memref<16x10240xf32, #tpu.memory_space<vmem_shared>> -> memref<1x640xf32, #tpu.memory_space<vmem_shared>>
      %dma_wait3A_153 = tpu.memref_squeeze %dma_wait3A : memref<1x640xf32, #tpu.memory_space<vmem_shared>> -> memref<640xf32, #tpu.memory_space<vmem_shared>>
      %dma_wait3A_154 = tpu.memref_slice %arg9[%run_scoped3A_137, %mul3A_136] : memref<16x10240xf32, #tpu.memory_space<vmem_shared>> -> memref<1x640xf32, #tpu.memory_space<vmem_shared>>
      %dma_wait3A_155 = tpu.memref_squeeze %dma_wait3A_154 : memref<1x640xf32, #tpu.memory_space<vmem_shared>> -> memref<640xf32, #tpu.memory_space<vmem_shared>>
      tpu.wait_dma2 semaphore(%run_scoped3A_149 : memref<!tpu.dma_semaphore, #tpu.memory_space<semaphore_mem>>) src(%dma_wait3A_155 : memref<640xf32, #tpu.memory_space<vmem_shared>>) dst(%arg8 : memref<640xf32, #tpu.memory_space<vmem>>)
      tpu.yield
    }) : () -> ()
    %scan3A_138 = arith.constant 0 : i32
    %scan3A_139 = arith.constant 0 : i32
    %scan3A_140 = arith.constant 40 : i32
    %scan3A_141 = arith.addi %scan3A_139, %scan3A_140 : i32
    %scan3A_142 = arith.constant 1 : i32
    scf.for %scan3A_149 = %scan3A_139 to %scan3A_141 step %scan3A_142  : i32 {
      %mul3A_150 = arith.constant 16 : i32
      %mul3A_151 = arith.muli %scan3A_149, %mul3A_150 : i32
      %get3A = arith.index_cast %mul3A_151 : i32 to index
      %get3A_152 = tpu.vector_load %arg7[%get3A] {strides = array<i32>} : memref<640xf32, #tpu.memory_space<vmem>>, vector<16xf32>,
      %get3A_153 = arith.index_cast %mul3A_151 : i32 to index
      %get3A_154 = tpu.vector_load %arg8[%get3A_153] {strides = array<i32>} : memref<640xf32, #tpu.memory_space<vmem>>, vector<16xf32>,
      %add3A_155 = arith.addf %get3A_152, %get3A_154 : vector<16xf32>
      %swap3A = arith.index_cast %mul3A_151 : i32 to index
      %swap3A_156 = tpu.vector_load %arg7[%swap3A] {strides = array<i32>} : memref<640xf32, #tpu.memory_space<vmem>>, vector<16xf32>,
      tpu.vector_store %arg7[%swap3A], %add3A_155 {strides = array<i32>} : memref<640xf32, #tpu.memory_space<vmem>>, vector<16xf32>,
    }
    %scan3A_143 = arith.constant 40 : i32
    %mul3A_144 = arith.constant 10240 : i32
    %mul3A_145 = arith.muli %arg0, %mul3A_144 : i32
    %mul3A_146 = arith.constant 640 : i32
    %mul3A_147 = arith.muli %arg1, %mul3A_146 : i32
    %add3A_148 = arith.addi %mul3A_145, %mul3A_147 : i32
    "tpu.region"() ({
      %run_scoped3A_149 = tpu.sem_alloc : memref<!tpu.dma_semaphore, #tpu.memory_space<semaphore_mem>>
      %dma_start3A = tpu.memref_slice %arg4[%add3A_148] : memref<20480xf32, #tpu.memory_space<hbm>> -> memref<640xf32, #tpu.memory_space<hbm>>
      %dma_start3A_150 = tpu.memref_slice %arg4[%add3A_148] : memref<20480xf32, #tpu.memory_space<hbm>> -> memref<640xf32, #tpu.memory_space<hbm>>
      tpu.enqueue_dma source(%arg7 : memref<640xf32, #tpu.memory_space<vmem>>) target(%dma_start3A_150 : memref<640xf32, #tpu.memory_space<hbm>>) target_semaphore(%run_scoped3A_149 : memref<!tpu.dma_semaphore, #tpu.memory_space<semaphore_mem>>)
      %dma_wait3A = tpu.memref_slice %arg4[%add3A_148] : memref<20480xf32, #tpu.memory_space<hbm>> -> memref<640xf32, #tpu.memory_space<hbm>>
      %dma_wait3A_151 = tpu.memref_slice %arg4[%add3A_148] : memref<20480xf32, #tpu.memory_space<hbm>> -> memref<640xf32, #tpu.memory_space<hbm>>
      tpu.wait_dma2 semaphore(%run_scoped3A_149 : memref<!tpu.dma_semaphore, #tpu.memory_space<semaphore_mem>>) src(%arg7 : memref<640xf32, #tpu.memory_space<vmem>>) dst(%dma_wait3A_151 : memref<640xf32, #tpu.memory_space<hbm>>)
      tpu.yield
    }) : () -> ()
    return
  }
}

#map = affine_map<(d0, d1) -> (0, 0)>
#map1 = affine_map<(d0, d1) -> (0, 0, 0)>
module attributes {stable_mosaic.version = 14 : i64} {
  func.func @body(%arg0: i32, %arg1: i32, %arg2: memref<10000x128xf32, #tpu.memory_space<hbm>>, %arg3: memref<32x79x128xi32, #tpu.memory_space<hbm>>, %arg4: memref<32x79x128xi32, #tpu.memory_space<hbm>>, %arg5: memref<640x128xf32, #tpu.memory_space<hbm>>, %arg6: memref<2x10240x128xf32, #tpu.memory_space<hbm>>, %arg7: memref<79x128xi32, #tpu.memory_space<vmem>>, %arg8: memref<79x128xi32, #tpu.memory_space<vmem>>, %arg9: memref<128x128xf32, #tpu.memory_space<vmem>>, %arg10: memref<10240x128xf32, #tpu.memory_space<vmem_shared>>) attributes {dimension_semantics = [#tpu.dimension_semantics<core_parallel>, #tpu.dimension_semantics<subcore_parallel>], iteration_bounds = array<i64: 2, 16>, scalar_prefetch = 0 : i64, scratch_operands = 4 : i64, tpu.core_type = #tpu.core_type<sc_vector_subcore>, window_params = [{transform_indices = #map}, {transform_indices = #map1}, {transform_indices = #map1}, {transform_indices = #map}, {transform_indices = #map1}]} {
    %mul3A = arith.constant 16 : i32
    %mul3A_0 = arith.muli %arg0, %mul3A : i32
    %add3A = arith.addi %mul3A_0, %arg1 : i32
    %mul3A_1 = arith.constant 640 : i32
    %mul3A_2 = arith.muli %arg1, %mul3A_1 : i32
    "tpu.region"() ({
      %run_scoped3A = tpu.sem_alloc : memref<!tpu.dma_semaphore, #tpu.memory_space<semaphore_mem>>
      %dma_start3A = arith.constant 0 : i32
      %dma_start3A_13 = tpu.memref_slice %arg10[%mul3A_2, %dma_start3A] : memref<10240x128xf32, #tpu.memory_space<vmem_shared>> -> memref<640x128xf32, #tpu.memory_space<vmem_shared>>
      tpu.enqueue_dma source(%arg5 : memref<640x128xf32, #tpu.memory_space<hbm>>) target(%dma_start3A_13 : memref<640x128xf32, #tpu.memory_space<vmem_shared>>) target_semaphore(%run_scoped3A : memref<!tpu.dma_semaphore, #tpu.memory_space<semaphore_mem>>)
      %dma_wait3A = arith.constant 0 : i32
      %dma_wait3A_14 = tpu.memref_slice %arg10[%mul3A_2, %dma_wait3A] : memref<10240x128xf32, #tpu.memory_space<vmem_shared>> -> memref<640x128xf32, #tpu.memory_space<vmem_shared>>
      tpu.wait_dma2 semaphore(%run_scoped3A : memref<!tpu.dma_semaphore, #tpu.memory_space<semaphore_mem>>) src(%arg5 : memref<640x128xf32, #tpu.memory_space<hbm>>) dst(%dma_wait3A_14 : memref<640x128xf32, #tpu.memory_space<vmem_shared>>)
      tpu.yield
    }) : () -> ()
    "tpu.region"() ({
      %run_scoped3A = tpu.sem_alloc : memref<!tpu.dma_semaphore, #tpu.memory_space<semaphore_mem>>
      %dma_start3A = arith.constant 0 : i32
      %dma_start3A_13 = arith.constant 0 : i32
      %dma_start3A_14 = tpu.memref_slice %arg3[%add3A, %dma_start3A, %dma_start3A_13] : memref<32x79x128xi32, #tpu.memory_space<hbm>> -> memref<1x79x128xi32, #tpu.memory_space<hbm>>
      %dma_start3A_15 = tpu.memref_squeeze %dma_start3A_14 : memref<1x79x128xi32, #tpu.memory_space<hbm>> -> memref<79x128xi32, #tpu.memory_space<hbm>>
      %dma_start3A_16 = arith.constant 0 : i32
      %dma_start3A_17 = arith.constant 0 : i32
      %dma_start3A_18 = tpu.memref_slice %arg3[%add3A, %dma_start3A_16, %dma_start3A_17] : memref<32x79x128xi32, #tpu.memory_space<hbm>> -> memref<1x79x128xi32, #tpu.memory_space<hbm>>
      %dma_start3A_19 = tpu.memref_squeeze %dma_start3A_18 : memref<1x79x128xi32, #tpu.memory_space<hbm>> -> memref<79x128xi32, #tpu.memory_space<hbm>>
      tpu.enqueue_dma source(%dma_start3A_19 : memref<79x128xi32, #tpu.memory_space<hbm>>) target(%arg7 : memref<79x128xi32, #tpu.memory_space<vmem>>) target_semaphore(%run_scoped3A : memref<!tpu.dma_semaphore, #tpu.memory_space<semaphore_mem>>)
      %dma_wait3A = arith.constant 0 : i32
      %dma_wait3A_20 = arith.constant 0 : i32
      %dma_wait3A_21 = tpu.memref_slice %arg3[%add3A, %dma_wait3A, %dma_wait3A_20] : memref<32x79x128xi32, #tpu.memory_space<hbm>> -> memref<1x79x128xi32, #tpu.memory_space<hbm>>
      %dma_wait3A_22 = tpu.memref_squeeze %dma_wait3A_21 : memref<1x79x128xi32, #tpu.memory_space<hbm>> -> memref<79x128xi32, #tpu.memory_space<hbm>>
      %dma_wait3A_23 = arith.constant 0 : i32
      %dma_wait3A_24 = arith.constant 0 : i32
      %dma_wait3A_25 = tpu.memref_slice %arg3[%add3A, %dma_wait3A_23, %dma_wait3A_24] : memref<32x79x128xi32, #tpu.memory_space<hbm>> -> memref<1x79x128xi32, #tpu.memory_space<hbm>>
      %dma_wait3A_26 = tpu.memref_squeeze %dma_wait3A_25 : memref<1x79x128xi32, #tpu.memory_space<hbm>> -> memref<79x128xi32, #tpu.memory_space<hbm>>
      tpu.wait_dma2 semaphore(%run_scoped3A : memref<!tpu.dma_semaphore, #tpu.memory_space<semaphore_mem>>) src(%dma_wait3A_26 : memref<79x128xi32, #tpu.memory_space<hbm>>) dst(%arg7 : memref<79x128xi32, #tpu.memory_space<vmem>>)
      tpu.yield
    }) : () -> ()
    "tpu.region"() ({
      %run_scoped3A = tpu.sem_alloc : memref<!tpu.dma_semaphore, #tpu.memory_space<semaphore_mem>>
      %dma_start3A = arith.constant 0 : i32
      %dma_start3A_13 = arith.constant 0 : i32
      %dma_start3A_14 = tpu.memref_slice %arg4[%add3A, %dma_start3A, %dma_start3A_13] : memref<32x79x128xi32, #tpu.memory_space<hbm>> -> memref<1x79x128xi32, #tpu.memory_space<hbm>>
      %dma_start3A_15 = tpu.memref_squeeze %dma_start3A_14 : memref<1x79x128xi32, #tpu.memory_space<hbm>> -> memref<79x128xi32, #tpu.memory_space<hbm>>
      %dma_start3A_16 = arith.constant 0 : i32
      %dma_start3A_17 = arith.constant 0 : i32
      %dma_start3A_18 = tpu.memref_slice %arg4[%add3A, %dma_start3A_16, %dma_start3A_17] : memref<32x79x128xi32, #tpu.memory_space<hbm>> -> memref<1x79x128xi32, #tpu.memory_space<hbm>>
      %dma_start3A_19 = tpu.memref_squeeze %dma_start3A_18 : memref<1x79x128xi32, #tpu.memory_space<hbm>> -> memref<79x128xi32, #tpu.memory_space<hbm>>
      tpu.enqueue_dma source(%dma_start3A_19 : memref<79x128xi32, #tpu.memory_space<hbm>>) target(%arg8 : memref<79x128xi32, #tpu.memory_space<vmem>>) target_semaphore(%run_scoped3A : memref<!tpu.dma_semaphore, #tpu.memory_space<semaphore_mem>>)
      %dma_wait3A = arith.constant 0 : i32
      %dma_wait3A_20 = arith.constant 0 : i32
      %dma_wait3A_21 = tpu.memref_slice %arg4[%add3A, %dma_wait3A, %dma_wait3A_20] : memref<32x79x128xi32, #tpu.memory_space<hbm>> -> memref<1x79x128xi32, #tpu.memory_space<hbm>>
      %dma_wait3A_22 = tpu.memref_squeeze %dma_wait3A_21 : memref<1x79x128xi32, #tpu.memory_space<hbm>> -> memref<79x128xi32, #tpu.memory_space<hbm>>
      %dma_wait3A_23 = arith.constant 0 : i32
      %dma_wait3A_24 = arith.constant 0 : i32
      %dma_wait3A_25 = tpu.memref_slice %arg4[%add3A, %dma_wait3A_23, %dma_wait3A_24] : memref<32x79x128xi32, #tpu.memory_space<hbm>> -> memref<1x79x128xi32, #tpu.memory_space<hbm>>
      %dma_wait3A_26 = tpu.memref_squeeze %dma_wait3A_25 : memref<1x79x128xi32, #tpu.memory_space<hbm>> -> memref<79x128xi32, #tpu.memory_space<hbm>>
      tpu.wait_dma2 semaphore(%run_scoped3A : memref<!tpu.dma_semaphore, #tpu.memory_space<semaphore_mem>>) src(%dma_wait3A_26 : memref<79x128xi32, #tpu.memory_space<hbm>>) dst(%arg8 : memref<79x128xi32, #tpu.memory_space<vmem>>)
      tpu.yield
    }) : () -> ()
    %barrier3A = arith.constant 0 : index
    tpu.barrier barrier_id(%barrier3A)
    %scan3A = arith.constant 0 : i32
    %scan3A_3 = arith.constant 0 : i32
    %scan3A_4 = arith.constant 79 : i32
    %scan3A_5 = arith.addi %scan3A_3, %scan3A_4 : i32
    %scan3A_6 = arith.constant 1 : i32
    scf.for %scan3A_13 = %scan3A_3 to %scan3A_5 step %scan3A_6  : i32 {
      "tpu.region"() ({
        %run_scoped3A = tpu.sem_alloc : memref<!tpu.dma_semaphore, #tpu.memory_space<semaphore_mem>>
        %dma_start3A = arith.constant 0 : i32
        %dma_start3A_14 = tpu.memref_slice %arg7[%scan3A_13, %dma_start3A] : memref<79x128xi32, #tpu.memory_space<vmem>> -> memref<1x128xi32, #tpu.memory_space<vmem>>
        %dma_start3A_15 = tpu.memref_squeeze %dma_start3A_14 : memref<1x128xi32, #tpu.memory_space<vmem>> -> memref<128xi32, #tpu.memory_space<vmem>>
        %dma_start3A_16 = arith.constant 0 : i32
        %dma_start3A_17 = arith.constant 0 : i32
        %dma_start3A_18 = tpu.memref_slice %arg2[%dma_start3A_16, %dma_start3A_17] : memref<10000x128xf32, #tpu.memory_space<hbm>> -> memref<10000x128xf32, #tpu.memory_space<hbm>>
        tpu.enqueue_indirect_dma source(%dma_start3A_18 : memref<10000x128xf32, #tpu.memory_space<hbm>>) target(%arg9 : memref<128x128xf32, #tpu.memory_space<vmem>>) offsets(%dma_start3A_15 : memref<128xi32, #tpu.memory_space<vmem>>) semaphore(%run_scoped3A : memref<!tpu.dma_semaphore, #tpu.memory_space<semaphore_mem>>)
        %dma_wait3A = arith.constant 0 : i32
        %dma_wait3A_19 = tpu.memref_slice %arg7[%scan3A_13, %dma_wait3A] : memref<79x128xi32, #tpu.memory_space<vmem>> -> memref<1x128xi32, #tpu.memory_space<vmem>>
        %dma_wait3A_20 = tpu.memref_squeeze %dma_wait3A_19 : memref<1x128xi32, #tpu.memory_space<vmem>> -> memref<128xi32, #tpu.memory_space<vmem>>
        %dma_wait3A_21 = arith.constant 0 : i32
        %dma_wait3A_22 = arith.constant 0 : i32
        %dma_wait3A_23 = tpu.memref_slice %arg2[%dma_wait3A_21, %dma_wait3A_22] : memref<10000x128xf32, #tpu.memory_space<hbm>> -> memref<10000x128xf32, #tpu.memory_space<hbm>>
        tpu.wait_indirect_dma semaphore(%run_scoped3A : memref<!tpu.dma_semaphore, #tpu.memory_space<semaphore_mem>>) src(%dma_wait3A_23 : memref<10000x128xf32, #tpu.memory_space<hbm>>) dst(%arg9 : memref<128x128xf32, #tpu.memory_space<vmem>>)
        tpu.yield
      }) : () -> ()
      "tpu.region"() ({
        %run_scoped3A = tpu.sem_alloc : memref<!tpu.dma_semaphore, #tpu.memory_space<semaphore_mem>>
        %dma_start3A = arith.constant 0 : i32
        %dma_start3A_14 = tpu.memref_slice %arg8[%scan3A_13, %dma_start3A] : memref<79x128xi32, #tpu.memory_space<vmem>> -> memref<1x128xi32, #tpu.memory_space<vmem>>
        %dma_start3A_15 = tpu.memref_squeeze %dma_start3A_14 : memref<1x128xi32, #tpu.memory_space<vmem>> -> memref<128xi32, #tpu.memory_space<vmem>>
        %dma_start3A_16 = arith.constant 0 : i32
        %dma_start3A_17 = arith.constant 0 : i32
        %dma_start3A_18 = tpu.memref_slice %arg10[%dma_start3A_16, %dma_start3A_17] : memref<10240x128xf32, #tpu.memory_space<vmem_shared>> -> memref<10240x128xf32, #tpu.memory_space<vmem_shared>>
        tpu.enqueue_indirect_dma source(%arg9 : memref<128x128xf32, #tpu.memory_space<vmem>>) target(%dma_start3A_18 : memref<10240x128xf32, #tpu.memory_space<vmem_shared>>) offsets(%dma_start3A_15 : memref<128xi32, #tpu.memory_space<vmem>>) semaphore(%run_scoped3A : memref<!tpu.dma_semaphore, #tpu.memory_space<semaphore_mem>>) {add = true}
        %dma_wait3A = arith.constant 0 : i32
        %dma_wait3A_19 = tpu.memref_slice %arg8[%scan3A_13, %dma_wait3A] : memref<79x128xi32, #tpu.memory_space<vmem>> -> memref<1x128xi32, #tpu.memory_space<vmem>>
        %dma_wait3A_20 = tpu.memref_squeeze %dma_wait3A_19 : memref<1x128xi32, #tpu.memory_space<vmem>> -> memref<128xi32, #tpu.memory_space<vmem>>
        %dma_wait3A_21 = arith.constant 0 : i32
        %dma_wait3A_22 = arith.constant 0 : i32
        %dma_wait3A_23 = tpu.memref_slice %arg10[%dma_wait3A_21, %dma_wait3A_22] : memref<10240x128xf32, #tpu.memory_space<vmem_shared>> -> memref<10240x128xf32, #tpu.memory_space<vmem_shared>>
        tpu.wait_indirect_dma semaphore(%run_scoped3A : memref<!tpu.dma_semaphore, #tpu.memory_space<semaphore_mem>>) src(%arg9 : memref<128x128xf32, #tpu.memory_space<vmem>>) dst(%dma_wait3A_23 : memref<10240x128xf32, #tpu.memory_space<vmem_shared>>)
        tpu.yield
      }) : () -> ()
    }
    %scan3A_7 = arith.constant 79 : i32
    %barrier3A_8 = arith.constant 0 : index
    tpu.barrier barrier_id(%barrier3A_8)
    %mul3A_9 = arith.constant 640 : i32
    %mul3A_10 = arith.muli %arg1, %mul3A_9 : i32
    %mul3A_11 = arith.constant 640 : i32
    %mul3A_12 = arith.muli %arg1, %mul3A_11 : i32
    "tpu.region"() ({
      %run_scoped3A = tpu.sem_alloc : memref<!tpu.dma_semaphore, #tpu.memory_space<semaphore_mem>>
      %dma_start3A = arith.constant 0 : i32
      %dma_start3A_13 = tpu.memref_slice %arg6[%arg0, %mul3A_12, %dma_start3A] : memref<2x10240x128xf32, #tpu.memory_space<hbm>> -> memref<1x640x128xf32, #tpu.memory_space<hbm>>
      %dma_start3A_14 = tpu.memref_squeeze %dma_start3A_13 : memref<1x640x128xf32, #tpu.memory_space<hbm>> -> memref<640x128xf32, #tpu.memory_space<hbm>>
      %dma_start3A_15 = arith.constant 0 : i32
      %dma_start3A_16 = tpu.memref_slice %arg10[%mul3A_10, %dma_start3A_15] : memref<10240x128xf32, #tpu.memory_space<vmem_shared>> -> memref<640x128xf32, #tpu.memory_space<vmem_shared>>
      tpu.enqueue_dma source(%dma_start3A_16 : memref<640x128xf32, #tpu.memory_space<vmem_shared>>) target(%dma_start3A_14 : memref<640x128xf32, #tpu.memory_space<hbm>>) target_semaphore(%run_scoped3A : memref<!tpu.dma_semaphore, #tpu.memory_space<semaphore_mem>>)
      %dma_wait3A = arith.constant 0 : i32
      %dma_wait3A_17 = tpu.memref_slice %arg6[%arg0, %mul3A_12, %dma_wait3A] : memref<2x10240x128xf32, #tpu.memory_space<hbm>> -> memref<1x640x128xf32, #tpu.memory_space<hbm>>
      %dma_wait3A_18 = tpu.memref_squeeze %dma_wait3A_17 : memref<1x640x128xf32, #tpu.memory_space<hbm>> -> memref<640x128xf32, #tpu.memory_space<hbm>>
      %dma_wait3A_19 = arith.constant 0 : i32
      %dma_wait3A_20 = tpu.memref_slice %arg10[%mul3A_10, %dma_wait3A_19] : memref<10240x128xf32, #tpu.memory_space<vmem_shared>> -> memref<640x128xf32, #tpu.memory_space<vmem_shared>>
      tpu.wait_dma2 semaphore(%run_scoped3A : memref<!tpu.dma_semaphore, #tpu.memory_space<semaphore_mem>>) src(%dma_wait3A_20 : memref<640x128xf32, #tpu.memory_space<vmem_shared>>) dst(%dma_wait3A_18 : memref<640x128xf32, #tpu.memory_space<hbm>>)
      tpu.yield
    }) : () -> ()
    return
  }
}

module attributes {stable_mosaic.version = 14 : i64} {
  func.func @_mm_scale_body(%arg0: i32, %arg1: memref<2000x16xf32, #tpu.memory_space<vmem>>, %arg2: memref<2000x16xf32, #tpu.memory_space<vmem>>, %arg3: memref<2000x128xf32, #tpu.memory_space<vmem>>, %arg4: memref<128x128xf32, #tpu.memory_space<vmem>>, %arg5: memref<2000x128xf32, #tpu.memory_space<vmem>>) attributes {dimension_semantics = [#tpu.dimension_semantics<arbitrary>], iteration_bounds = array<i64: 5>, scalar_prefetch = 0 : i64, scratch_operands = 0 : i64, tpu.core_type = #tpu.core_type<tc>, window_params = [{transform_indices = @transform_0, window_bounds = array<i64: 2000, 16>}, {transform_indices = @transform_1, window_bounds = array<i64: 2000, 16>}, {transform_indices = @transform_2, window_bounds = array<i64: 2000, 128>}, {pipeline_mode = #tpu.pipeline_mode<synchronous>, transform_indices = @transform_3, window_bounds = array<i64: 128, 128>}, {transform_indices = @transform_4, window_bounds = array<i64: 2000, 128>}]} {
    %get3A = arith.constant 0 : index
    %get3A_0 = arith.constant 0 : index
    %get3A_1 = vector.load %arg1[%get3A, %get3A_0] : memref<2000x16xf32, #tpu.memory_space<vmem>>, vector<2000x16xf32>
    %get3A_2 = arith.constant 0 : index
    %get3A_3 = arith.constant 0 : index
    %get3A_4 = vector.load %arg2[%get3A_2, %get3A_3] : memref<2000x16xf32, #tpu.memory_space<vmem>>, vector<2000x16xf32>
    %slice3A = vector.extract_strided_slice %get3A_1 {offsets = [0, 0], sizes = [2000, 1], strides = [1, 1]} : vector<2000x16xf32> to vector<2000x1xf32>
    %slice3A_5 = vector.extract_strided_slice %get3A_4 {offsets = [0, 0], sizes = [2000, 1], strides = [1, 1]} : vector<2000x16xf32> to vector<2000x1xf32>
    %add3A = arith.addf %slice3A, %slice3A_5 : vector<2000x1xf32>
    %add3A_6 = arith.constant 1.000000e+00 : f32
    %add3A_7 = vector.broadcast %add3A_6 : f32 to vector<2000x1xf32>
    %add3A_8 = arith.addf %add3A, %add3A_7 : vector<2000x1xf32>
    %rsqrt3A = math.rsqrt %add3A_8 : vector<2000x1xf32>
    %get3A_9 = arith.constant 0 : index
    %get3A_10 = arith.constant 0 : index
    %get3A_11 = vector.load %arg3[%get3A_9, %get3A_10] : memref<2000x128xf32, #tpu.memory_space<vmem>>, vector<2000x128xf32>
    %get3A_12 = arith.constant 0 : index
    %get3A_13 = arith.constant 0 : index
    %get3A_14 = vector.load %arg4[%get3A_12, %get3A_13] : memref<128x128xf32, #tpu.memory_space<vmem>>, vector<128x128xf32>
    %dot_general3A = arith.constant dense<0.000000e+00> : vector<2000x128xf32>
    %dot_general3A_15 = tpu.matmul %get3A_11, %get3A_14, %dot_general3A {dimension_numbers = #tpu.dot_dimension_numbers<[1], [0], [0], [1], [0, 0, 1, 1], [], []>, transpose_lhs_hint = false} : vector<2000x128xf32>, vector<128x128xf32>, vector<2000x128xf32> -> vector<2000x128xf32>
    %mul3A = vector.broadcast %rsqrt3A : vector<2000x1xf32> to vector<2000x128xf32>
    %mul3A_16 = arith.mulf %dot_general3A_15, %mul3A : vector<2000x128xf32>
    %swap3A = arith.constant 0 : index
    %swap3A_17 = arith.constant 0 : index
    %swap3A_18 = vector.load %arg5[%swap3A, %swap3A_17] : memref<2000x128xf32, #tpu.memory_space<vmem>>, vector<2000x128xf32>
    tpu.vector_store %arg5[%swap3A, %swap3A_17], %mul3A_16 {strides = array<i32>} : memref<2000x128xf32, #tpu.memory_space<vmem>>, vector<2000x128xf32>,
    return
  }
  func.func @transform_0(%arg0: i32) -> (i32, i32) {
    %c0_i32 = arith.constant 0 : i32
    %c0_i32_0 = arith.constant 0 : i32
    return %arg0, %c0_i32 : i32, i32
  }
  func.func @transform_1(%arg0: i32) -> (i32, i32) {
    %c0_i32 = arith.constant 0 : i32
    %c0_i32_0 = arith.constant 0 : i32
    return %arg0, %c0_i32 : i32, i32
  }
  func.func @transform_2(%arg0: i32) -> (i32, i32) {
    %c0_i32 = arith.constant 0 : i32
    %c0_i32_0 = arith.constant 0 : i32
    return %arg0, %c0_i32 : i32, i32
  }
  func.func @transform_3(%arg0: i32) -> (i32, i32) {
    %c0_i32 = arith.constant 0 : i32
    %c0_i32_0 = arith.constant 0 : i32
    %c0_i32_1 = arith.constant 0 : i32
    return %c0_i32, %c0_i32_0 : i32, i32
  }
  func.func @transform_4(%arg0: i32) -> (i32, i32) {
    %c0_i32 = arith.constant 0 : i32
    %c0_i32_0 = arith.constant 0 : i32
    return %arg0, %c0_i32 : i32, i32
  }
}

module attributes {stable_mosaic.version = 14 : i64} {
  func.func @_mid_body(%arg0: i32, %arg1: memref<2000x16xf32, #tpu.memory_space<vmem>>, %arg2: memref<2000x16xf32, #tpu.memory_space<vmem>>, %arg3: memref<2000x128xf32, #tpu.memory_space<vmem>>, %arg4: memref<2000x128xf32, #tpu.memory_space<vmem>>, %arg5: memref<2000x128xf32, #tpu.memory_space<vmem>>, %arg6: memref<1x128xf32, #tpu.memory_space<vmem>>, %arg7: memref<128x128xf32, #tpu.memory_space<vmem>>, %arg8: memref<2000x128xf32, #tpu.memory_space<vmem>>) attributes {dimension_semantics = [#tpu.dimension_semantics<arbitrary>], iteration_bounds = array<i64: 5>, scalar_prefetch = 0 : i64, scratch_operands = 0 : i64, tpu.core_type = #tpu.core_type<tc>, window_params = [{transform_indices = @transform_0, window_bounds = array<i64: 2000, 16>}, {transform_indices = @transform_1, window_bounds = array<i64: 2000, 16>}, {transform_indices = @transform_2, window_bounds = array<i64: 2000, 128>}, {transform_indices = @transform_3, window_bounds = array<i64: 2000, 128>}, {transform_indices = @transform_4, window_bounds = array<i64: 2000, 128>}, {pipeline_mode = #tpu.pipeline_mode<synchronous>, transform_indices = @transform_5, window_bounds = array<i64: 1, 128>}, {pipeline_mode = #tpu.pipeline_mode<synchronous>, transform_indices = @transform_6, window_bounds = array<i64: 128, 128>}, {transform_indices = @transform_7, window_bounds = array<i64: 2000, 128>}]} {
    %get3A = arith.constant 0 : index
    %get3A_0 = arith.constant 0 : index
    %get3A_1 = vector.load %arg1[%get3A, %get3A_0] : memref<2000x16xf32, #tpu.memory_space<vmem>>, vector<2000x16xf32>
    %get3A_2 = arith.constant 0 : index
    %get3A_3 = arith.constant 0 : index
    %get3A_4 = vector.load %arg2[%get3A_2, %get3A_3] : memref<2000x16xf32, #tpu.memory_space<vmem>>, vector<2000x16xf32>
    %slice3A = vector.extract_strided_slice %get3A_1 {offsets = [0, 0], sizes = [2000, 1], strides = [1, 1]} : vector<2000x16xf32> to vector<2000x1xf32>
    %slice3A_5 = vector.extract_strided_slice %get3A_4 {offsets = [0, 0], sizes = [2000, 1], strides = [1, 1]} : vector<2000x16xf32> to vector<2000x1xf32>
    %add3A = arith.addf %slice3A, %slice3A_5 : vector<2000x1xf32>
    %add3A_6 = arith.constant 1.000000e+00 : f32
    %add3A_7 = vector.broadcast %add3A_6 : f32 to vector<2000x1xf32>
    %add3A_8 = arith.addf %add3A, %add3A_7 : vector<2000x1xf32>
    %rsqrt3A = math.rsqrt %add3A_8 : vector<2000x1xf32>
    %get3A_9 = arith.constant 0 : index
    %get3A_10 = arith.constant 0 : index
    %get3A_11 = vector.load %arg3[%get3A_9, %get3A_10] : memref<2000x128xf32, #tpu.memory_space<vmem>>, vector<2000x128xf32>
    %get3A_12 = arith.constant 0 : index
    %get3A_13 = arith.constant 0 : index
    %get3A_14 = vector.load %arg4[%get3A_12, %get3A_13] : memref<2000x128xf32, #tpu.memory_space<vmem>>, vector<2000x128xf32>
    %add3A_15 = arith.addf %get3A_11, %get3A_14 : vector<2000x128xf32>
    %get3A_16 = arith.constant 0 : index
    %get3A_17 = arith.constant 0 : index
    %get3A_18 = vector.load %arg5[%get3A_16, %get3A_17] : memref<2000x128xf32, #tpu.memory_space<vmem>>, vector<2000x128xf32>
    %add3A_19 = arith.addf %add3A_15, %get3A_18 : vector<2000x128xf32>
    %mul3A = vector.broadcast %rsqrt3A : vector<2000x1xf32> to vector<2000x128xf32>
    %mul3A_20 = arith.mulf %add3A_19, %mul3A : vector<2000x128xf32>
    %get3A_21 = arith.constant 0 : index
    %get3A_22 = arith.constant 0 : index
    %get3A_23 = vector.load %arg6[%get3A_21, %get3A_22] : memref<1x128xf32, #tpu.memory_space<vmem>>, vector<1x128xf32>
    %add3A_24 = vector.broadcast %get3A_23 : vector<1x128xf32> to vector<2000x128xf32>
    %add3A_25 = arith.addf %mul3A_20, %add3A_24 : vector<2000x128xf32>
    %max3A = arith.constant 0.000000e+00 : f32
    %max3A_26 = vector.broadcast %max3A : f32 to vector<2000x128xf32>
    %max3A_27 = arith.maximumf %add3A_25, %max3A_26 : vector<2000x128xf32>
    %get3A_28 = arith.constant 0 : index
    %get3A_29 = arith.constant 0 : index
    %get3A_30 = vector.load %arg7[%get3A_28, %get3A_29] : memref<128x128xf32, #tpu.memory_space<vmem>>, vector<128x128xf32>
    %dot_general3A = arith.constant dense<0.000000e+00> : vector<2000x128xf32>
    %dot_general3A_31 = tpu.matmul %max3A_27, %get3A_30, %dot_general3A {dimension_numbers = #tpu.dot_dimension_numbers<[1], [0], [0], [1], [0, 0, 1, 1], [], []>, transpose_lhs_hint = false} : vector<2000x128xf32>, vector<128x128xf32>, vector<2000x128xf32> -> vector<2000x128xf32>
    %mul3A_32 = vector.broadcast %rsqrt3A : vector<2000x1xf32> to vector<2000x128xf32>
    %mul3A_33 = arith.mulf %dot_general3A_31, %mul3A_32 : vector<2000x128xf32>
    %swap3A = arith.constant 0 : index
    %swap3A_34 = arith.constant 0 : index
    %swap3A_35 = vector.load %arg8[%swap3A, %swap3A_34] : memref<2000x128xf32, #tpu.memory_space<vmem>>, vector<2000x128xf32>
    tpu.vector_store %arg8[%swap3A, %swap3A_34], %mul3A_33 {strides = array<i32>} : memref<2000x128xf32, #tpu.memory_space<vmem>>, vector<2000x128xf32>,
    return
  }
  func.func @transform_0(%arg0: i32) -> (i32, i32) {
    %c0_i32 = arith.constant 0 : i32
    %c0_i32_0 = arith.constant 0 : i32
    return %arg0, %c0_i32 : i32, i32
  }
  func.func @transform_1(%arg0: i32) -> (i32, i32) {
    %c0_i32 = arith.constant 0 : i32
    %c0_i32_0 = arith.constant 0 : i32
    return %arg0, %c0_i32 : i32, i32
  }
  func.func @transform_2(%arg0: i32) -> (i32, i32) {
    %c0_i32 = arith.constant 0 : i32
    %c0_i32_0 = arith.constant 0 : i32
    return %arg0, %c0_i32 : i32, i32
  }
  func.func @transform_3(%arg0: i32) -> (i32, i32) {
    %c0_i32 = arith.constant 0 : i32
    %c0_i32_0 = arith.constant 0 : i32
    return %arg0, %c0_i32 : i32, i32
  }
  func.func @transform_4(%arg0: i32) -> (i32, i32) {
    %c0_i32 = arith.constant 0 : i32
    %c0_i32_0 = arith.constant 0 : i32
    return %arg0, %c0_i32 : i32, i32
  }
  func.func @transform_5(%arg0: i32) -> (i32, i32) {
    %c0_i32 = arith.constant 0 : i32
    %c0_i32_0 = arith.constant 0 : i32
    %c0_i32_1 = arith.constant 0 : i32
    return %c0_i32, %c0_i32_0 : i32, i32
  }
  func.func @transform_6(%arg0: i32) -> (i32, i32) {
    %c0_i32 = arith.constant 0 : i32
    %c0_i32_0 = arith.constant 0 : i32
    %c0_i32_1 = arith.constant 0 : i32
    return %c0_i32, %c0_i32_0 : i32, i32
  }
  func.func @transform_7(%arg0: i32) -> (i32, i32) {
    %c0_i32 = arith.constant 0 : i32
    %c0_i32_0 = arith.constant 0 : i32
    return %arg0, %c0_i32 : i32, i32
  }
}

module attributes {stable_mosaic.version = 14 : i64} {
  func.func @_fin_body(%arg0: i32, %arg1: memref<2000x16xf32, #tpu.memory_space<vmem>>, %arg2: memref<2000x16xf32, #tpu.memory_space<vmem>>, %arg3: memref<2000x128xf32, #tpu.memory_space<vmem>>, %arg4: memref<2000x128xf32, #tpu.memory_space<vmem>>, %arg5: memref<2000x128xf32, #tpu.memory_space<vmem>>, %arg6: memref<1x128xf32, #tpu.memory_space<vmem>>, %arg7: memref<2000x128xf32, #tpu.memory_space<vmem>>) attributes {dimension_semantics = [#tpu.dimension_semantics<arbitrary>], iteration_bounds = array<i64: 5>, scalar_prefetch = 0 : i64, scratch_operands = 0 : i64, tpu.core_type = #tpu.core_type<tc>, window_params = [{transform_indices = @transform_0, window_bounds = array<i64: 2000, 16>}, {transform_indices = @transform_1, window_bounds = array<i64: 2000, 16>}, {transform_indices = @transform_2, window_bounds = array<i64: 2000, 128>}, {transform_indices = @transform_3, window_bounds = array<i64: 2000, 128>}, {transform_indices = @transform_4, window_bounds = array<i64: 2000, 128>}, {pipeline_mode = #tpu.pipeline_mode<synchronous>, transform_indices = @transform_5, window_bounds = array<i64: 1, 128>}, {transform_indices = @transform_6, window_bounds = array<i64: 2000, 128>}]} {
    %get3A = arith.constant 0 : index
    %get3A_0 = arith.constant 0 : index
    %get3A_1 = vector.load %arg1[%get3A, %get3A_0] : memref<2000x16xf32, #tpu.memory_space<vmem>>, vector<2000x16xf32>
    %get3A_2 = arith.constant 0 : index
    %get3A_3 = arith.constant 0 : index
    %get3A_4 = vector.load %arg2[%get3A_2, %get3A_3] : memref<2000x16xf32, #tpu.memory_space<vmem>>, vector<2000x16xf32>
    %slice3A = vector.extract_strided_slice %get3A_1 {offsets = [0, 0], sizes = [2000, 1], strides = [1, 1]} : vector<2000x16xf32> to vector<2000x1xf32>
    %slice3A_5 = vector.extract_strided_slice %get3A_4 {offsets = [0, 0], sizes = [2000, 1], strides = [1, 1]} : vector<2000x16xf32> to vector<2000x1xf32>
    %add3A = arith.addf %slice3A, %slice3A_5 : vector<2000x1xf32>
    %add3A_6 = arith.constant 1.000000e+00 : f32
    %add3A_7 = vector.broadcast %add3A_6 : f32 to vector<2000x1xf32>
    %add3A_8 = arith.addf %add3A, %add3A_7 : vector<2000x1xf32>
    %rsqrt3A = math.rsqrt %add3A_8 : vector<2000x1xf32>
    %get3A_9 = arith.constant 0 : index
    %get3A_10 = arith.constant 0 : index
    %get3A_11 = vector.load %arg3[%get3A_9, %get3A_10] : memref<2000x128xf32, #tpu.memory_space<vmem>>, vector<2000x128xf32>
    %get3A_12 = arith.constant 0 : index
    %get3A_13 = arith.constant 0 : index
    %get3A_14 = vector.load %arg4[%get3A_12, %get3A_13] : memref<2000x128xf32, #tpu.memory_space<vmem>>, vector<2000x128xf32>
    %add3A_15 = arith.addf %get3A_11, %get3A_14 : vector<2000x128xf32>
    %get3A_16 = arith.constant 0 : index
    %get3A_17 = arith.constant 0 : index
    %get3A_18 = vector.load %arg5[%get3A_16, %get3A_17] : memref<2000x128xf32, #tpu.memory_space<vmem>>, vector<2000x128xf32>
    %add3A_19 = arith.addf %add3A_15, %get3A_18 : vector<2000x128xf32>
    %mul3A = vector.broadcast %rsqrt3A : vector<2000x1xf32> to vector<2000x128xf32>
    %mul3A_20 = arith.mulf %add3A_19, %mul3A : vector<2000x128xf32>
    %get3A_21 = arith.constant 0 : index
    %get3A_22 = arith.constant 0 : index
    %get3A_23 = vector.load %arg6[%get3A_21, %get3A_22] : memref<1x128xf32, #tpu.memory_space<vmem>>, vector<1x128xf32>
    %add3A_24 = vector.broadcast %get3A_23 : vector<1x128xf32> to vector<2000x128xf32>
    %add3A_25 = arith.addf %mul3A_20, %add3A_24 : vector<2000x128xf32>
    %swap3A = arith.constant 0 : index
    %swap3A_26 = arith.constant 0 : index
    %swap3A_27 = vector.load %arg7[%swap3A, %swap3A_26] : memref<2000x128xf32, #tpu.memory_space<vmem>>, vector<2000x128xf32>
    tpu.vector_store %arg7[%swap3A, %swap3A_26], %add3A_25 {strides = array<i32>} : memref<2000x128xf32, #tpu.memory_space<vmem>>, vector<2000x128xf32>,
    return
  }
  func.func @transform_0(%arg0: i32) -> (i32, i32) {
    %c0_i32 = arith.constant 0 : i32
    %c0_i32_0 = arith.constant 0 : i32
    return %arg0, %c0_i32 : i32, i32
  }
  func.func @transform_1(%arg0: i32) -> (i32, i32) {
    %c0_i32 = arith.constant 0 : i32
    %c0_i32_0 = arith.constant 0 : i32
    return %arg0, %c0_i32 : i32, i32
  }
  func.func @transform_2(%arg0: i32) -> (i32, i32) {
    %c0_i32 = arith.constant 0 : i32
    %c0_i32_0 = arith.constant 0 : i32
    return %arg0, %c0_i32 : i32, i32
  }
  func.func @transform_3(%arg0: i32) -> (i32, i32) {
    %c0_i32 = arith.constant 0 : i32
    %c0_i32_0 = arith.constant 0 : i32
    return %arg0, %c0_i32 : i32, i32
  }
  func.func @transform_4(%arg0: i32) -> (i32, i32) {
    %c0_i32 = arith.constant 0 : i32
    %c0_i32_0 = arith.constant 0 : i32
    return %arg0, %c0_i32 : i32, i32
  }
  func.func @transform_5(%arg0: i32) -> (i32, i32) {
    %c0_i32 = arith.constant 0 : i32
    %c0_i32_0 = arith.constant 0 : i32
    %c0_i32_1 = arith.constant 0 : i32
    return %c0_i32, %c0_i32_0 : i32, i32
  }
  func.func @transform_6(%arg0: i32) -> (i32, i32) {
    %c0_i32 = arith.constant 0 : i32
    %c0_i32_0 = arith.constant 0 : i32
    return %arg0, %c0_i32 : i32, i32
  }
}

</mosaic_0001>

<sc_bundles>
// kernel: kernel.11.cloned.1.call-start
scs
__scs_entry_jumppad:
0x0: {  	(pc) =	sbr.rel $0x88, $3  }
0x1: {  	(tag) =	ssettag $0x0;
	lr =	simm.s32 $0x1  }
0x2: {  	[smem:$0x3F9B] =	sst lr;
	_ =	strace $0xD0000000  }
0x3: {  	_ = 	snop  }
0x4: {  	_ = 	snop  }
0x5: {  	_ = 	snop  }
0x6: {  	_ = 	snop  }
0x7: {  	_ = 	snop  }
__scs_overlays_trampoline_lowered:
0x8: {  	[smem:$0x3FAA] =	sst s0  }
0x9: {  	[smem:$0x3FAB] =	sst s1  }
0xa: {  	[smem:$0x3FAC] =	sst s2  }
0xb: {  	[smem:$0x3FAD] =	sst s3  }
0xc: {  	[smem:$0x3FAE] =	sst s4  }
0xd: {  	[smem:$0x3FAF] =	sst s5  }
0xe: {  	[smem:$0x3FB0] =	sst s6  }
0xf: {  	[smem:$0x3FB1] =	sst s7  }
0x10: {  	[smem:$0x3FB2] =	sst s8  }
0x11: {  	[smem:$0x3FB3] =	sst s9;
	s0 =	simm.s32 @!p0 $0x0  }
0x12: {  	s1 =	sld [smem:$0x3F99];
	s0 =	simm.s32 @p0 $0x1  }
0x13: {  	[smem:$0x3FB4] =	sst s0;
	s0 =	simm.s32 @!p1 $0x0  }
0x14: {  	s2 =	sld [smem:$0x3F98];
	s0 =	simm.s32 @p1 $0x1  }
0x15: {  	[smem:$0x3FB5] =	sst s0;
	s0 =	simm.s32 @!p2 $0x0  }
0x16: {  	s3 =	sld [smem:$0x3FDB];
	s0 =	simm.s32 @p2 $0x1  }
0x17: {  	s4 =	simm.s32 $0x1BF5;
	[smem:$0x3FB7] =	sst s0  }
0x18: {  	s0 =	sld [smem:$0x3F9A];
	_ =	swait.ge [sflag:s4], $0x0  }
0x19: {  	s7 =	sld [smem:$0x3F9B]  }
0x1a: {  	s8 =	sadd.s32 $0xFFFFE003, lr  }
0x1b: {  	s9 =	sadd.s32 $0xFFFFFEF7, lr;
	s5 =	simm.s32 $0xFFFFFFFF;
	p2 =	slt.u32 s8, $0xFFFFF086  }
0x1c: {  	p1 =	slt.u32 s9, $0xF7A;
	s5 =	simm.s32 @!p2 $0x0  }
0x1d: {  	s5 =	simm.s32 @p1 $0x1;
	p0 =	seq.s32 s7, s2  }
0x1e: {  	s7 =	smul.u32 @!p0 $0xF7A, s2;
	p2 =	seq.s32 @!p0 s5, $0x0  }
0x1f: {  	s9 =	smul.u32 $0xF7A, s1;
	s8 =	simm.s32 @!p0 $0x1BF5;
	p2 =	por !p2, p0  }
0x20: {  	[sflag:s8] =	ssyncset.s32 @!p0 $0xFFFFF086;
	s6 =	sadd.s32 @!p0 s3, s7;
	s7 =	simm.s32 @!p0 $0x108  }
0x21: {  	s3 =	sadd.s32 s3, s9;
	s6 =	sadd.s32 @!p0 $0x88, s6;
	s7 =	simm.s32 @p2 $0x1082  }
0x22: {  	[simem:s7], [sflag:s8] =	dma.local @!p0 [hbm:s6], $0xF7A  }
0x23: {  	s9 =	sor.u32 $0xD0000000, s2;
	s6 =	simm.s32 $0x108;
	_ =	swait.ge @!p0 [sflag:s8], $0x0  }
0x24: {  	s3 =	sadd.s32 $0x88, s3;
	s6 =	simm.s32 @!p1 $0x1082;
	[sflag:s4] =	ssyncset.s32 $0xFFFFF086  }
0x25: {  	[simem:s6], [sflag:s4] =	dma.local [hbm:s3], $0xF7A  }
0x26: {  	[smem:$0x3F9B] =	sst s1;
	(tag) =	ssettag s2;
	_ =	strace s9  }
0x27: {  	s1 =	sld [smem:$0x3FAB]  }
0x28: {  	s2 =	sld [smem:$0x3FAC]  }
0x29: {  	s4 =	sld [smem:$0x3FAE]  }
0x2a: {  	p0 =	seq.s32 s5, $0x0;
	s5 =	sld [smem:$0x3FAF]  }
0x2b: {  	s6 =	sld [smem:$0x3FB0]  }
0x2c: {  	s7 =	sld [smem:$0x3FB1]  }
0x2d: {  	s3 =	simm.s32 $0x108;
	s8 =	sld [smem:$0x3FB2]  }
0x2e: {  	s3 =	simm.s32 @!p0 $0x1082;
	s9 =	sld [smem:$0x3FB3]  }
0x2f: {  	lr =	sadd.s32 s0, s3;
	s0 =	sld [smem:$0x3FAA]  }
0x30: {  	s3 =	sld [smem:$0x3FAD]  }
0x31: {  	[smem:$0x3FB6] =	sst s10  }
0x32: {  	s10 =	sld [smem:$0x3FB4];
	_ =	sdelay $0x3  }
0x33: {  	p0 =	seq.s32 s10, $0x1;
	s10 =	sld [smem:$0x3FB6];
	_ =	sdelay $0x3  }
0x34: {  	[smem:$0x3FB6] =	sst s10  }
0x35: {  	s10 =	sld [smem:$0x3FB5];
	_ =	sdelay $0x3  }
0x36: {  	p1 =	seq.s32 s10, $0x1;
	s10 =	sld [smem:$0x3FB6];
	_ =	sdelay $0x3  }
0x37: {  	[smem:$0x3FB6] =	sst s10  }
0x38: {  	s10 =	sld [smem:$0x3FB7]  }
0x39: {  	_ = 	snop;
	(pc) =	sbr.ind lr, $3  }
0x3a: {  	_ = 	snop  }
0x3b: {  	_ = 	snop  }
0x3c: {  	p2 =	seq.s32 s10, $0x1;
	s10 =	sld [smem:$0x3FB6]  }
0x3d: {  	_ =	shalt  }
0x3e: {  	_ =	shalt  }
0x3f: {  	_ =	shalt  }
0x40: {  	_ =	shalt  }
0x41: {  	_ =	shalt  }
0x42: {  	_ =	shalt  }
0x43: {  	_ =	shalt  }
0x44: {  	_ =	shalt  }
0x45: {  	_ =	shalt  }
0x46: {  	_ =	shalt  }
0x47: {  	_ =	shalt  }
0x48: {  	_ =	shalt  }
0x49: {  	_ =	shalt  }
0x4a: {  	_ =	shalt  }
0x4b: {  	_ =	shalt  }
0x4c: {  	_ =	shalt  }
0x4d: {  	_ =	shalt  }
0x4e: {  	_ =	shalt  }
0x4f: {  	_ =	shalt  }
0x50: {  	_ =	shalt  }
0x51: {  	_ =	shalt  }
0x52: {  	_ =	shalt  }
0x53: {  	_ =	shalt  }
0x54: {  	_ =	shalt  }
0x55: {  	_ =	shalt  }
0x56: {  	_ =	shalt  }
0x57: {  	_ =	shalt  }
0x58: {  	_ =	shalt  }
0x59: {  	_ =	shalt  }
0x5a: {  	_ =	shalt  }
0x5b: {  	_ =	shalt  }
0x5c: {  	_ =	shalt  }
0x5d: {  	_ =	shalt  }
0x5e: {  	_ =	shalt  }
0x5f: {  	_ =	shalt  }
0x60: {  	_ =	shalt  }
0x61: {  	_ =	shalt  }
0x62: {  	_ =	shalt  }
0x63: {  	_ =	shalt  }
0x64: {  	_ =	shalt  }
0x65: {  	_ =	shalt  }
0x66: {  	_ =	shalt  }
0x67: {  	_ =	shalt  }
0x68: {  	_ =	shalt  }
0x69: {  	_ =	shalt  }
0x6a: {  	_ =	shalt  }
0x6b: {  	_ =	shalt  }
0x6c: {  	_ =	shalt  }
0x6d: {  	_ =	shalt  }
0x6e: {  	_ =	shalt  }
0x6f: {  	_ =	shalt  }
0x70: {  	_ =	shalt  }
0x71: {  	_ =	shalt  }
0x72: {  	_ =	shalt  }
0x73: {  	_ =	shalt  }
0x74: {  	_ =	shalt  }
0x75: {  	_ =	shalt  }
0x76: {  	_ =	shalt  }
0x77: {  	_ =	shalt  }
0x78: {  	_ =	shalt  }
0x79: {  	_ =	shalt  }
0x7a: {  	_ =	shalt  }
0x7b: {  	_ =	shalt  }
0x7c: {  	_ =	shalt  }
0x7d: {  	_ =	shalt  }
0x7e: {  	_ =	shalt  }
0x7f: {  	_ =	shalt  }
0x80: {  	_ =	shalt  }
0x81: {  	_ =	shalt  }
0x82: {  	_ =	shalt  }
0x83: {  	_ =	shalt  }
0x84: {  	_ =	shalt  }
0x85: {  	_ =	shalt  }
0x86: {  	_ =	shalt  }
0x87: {  	_ =	shalt  }
.Lfunc_end0:
.L_simem_size_0:
called_computation.1_lowered:
.L_overlay_start_0:
0x88: {  	s2 =	sld [smem:$0x3FD9]  }
0x89: {  	s3 =	sld [smem:$0x3FFE];
	_ =	sdelay $0x1  }
0x8a: {  	s1 =	srdreg.scid  }
0x8b: {  	s0 =	sand.u32 $0x1, s1  }
0x8c: {  	s17 =	sshll.u32 s0, $0xA;
	s2 =	sadd.s32 s3, s2  }
0x8d: {  	s2 =	sadd.s32 s2, s17  }
0x8e: {  	[smem:$0x3FC2] =	sst s2  }
0x8f: {  	_ = 	snop  }
0x90: {  	s2 =	sld [smem:$0x3FD0];
	(tm) =	ssettm $0x1  }
0x91: {  	s18 =	sld [smem:$0x3FFB];
	_ =	sdelay $0x3  }
0x92: {  	_ =	strace s18  }
0x93: {  	s3 =	sld [smem:$0x3FFC];
	_ =	sdelay $0x3  }
0x94: {  	_ =	strace s3  }
0x95: {  	s3 =	sld [smem:$0x3FFD];
	_ =	sdelay $0x3  }
0x96: {  	_ =	strace s3  }
0x97: {  	_ =	strace $0x8FFFFFFF  }
0x98: {  	s19 =	sld [smem:$0x3FDB];
	_ =	sdelay $0x1  }
0x99: {  	s4 =	simm.s32 $_scs_section_size  }
0x9a: {  	s5 =	simm.s32 $_size__tile_overlayer_lowered;
	s6 =	simm.s32 $_tile_overlayer_lowered  }
0x9b: {  	s22 =	simm.s32 $0x1BFF;
	s21 =	sshll.u32 s6, $0x1;
	s3 =	sadd.s32 s4, s19  }
0x9c: {  	s7 =	simm.s32 $0x0;
	s20 =	sshll.u32 s5, $0x1;
	s5 =	sadd.s32 s21, s3  }
0x9d: {  	[timem:s7], [sflag:s22] =	dma.local [hbm:s5], s20  }
0x9e: {  	_ =	swait.ge [sflag:s22], s20  }
0x9f: {  	s4 =	ssub.s32 $0x0, s20;
	[sflag:s22] =	ssyncset.done $0x0  }
0xa0: {  	[sflag:s22] =	ssyncadd.s32 s4;
	_ =	sdelay $0x1  }
0xa1: {  	s23 =	simm.s32 $0x1B8B  }
0xa2: {  	_ =	swait.ge [sflag:s23], $0x1  }
0xa3: {  	[sflag:s23] =	ssyncset.done $0x0  }
0xa4: {  	s25 =	simm.s32 $0x1B8E;
	s24 =	sld [smem:$0x3FFE];
	[sflag:s23] =	ssyncadd.s32 $0xFFFFFFFF  }
0xa5: {  	s26 =	simm.s32 $execute0_lowered;
	[smem:$0x3FD2] =	sst s25  }
0xa6: {  	s5 =	sshll.u32 s26, $0x1;
	_ =	strace $0x80000049;
	[dreg:$0x1] =	wrdreg $0xFFFFFFFF  }
0xa7: {  	s28 =	simm.s32 $_size_execute0_lowered;
	s3 =	sadd.s32 s3, s5;
	[dreg:$0x0] =	wrdreg $0x0  }
0xa8: {  	s5 =	sshll.u32 s28, $0x1;
	[dreg:$0x2] =	wrdreg s3  }
0xa9: {  	[dreg:$0x3] =	wrdreg s5  }
0xaa: {  	[dreg:$0x4] =	wrdreg $0xC0  }
0xab: {  	_ =	task [dreg:s7], $0x5FFFF  }
0xac: {  	[dreg:$0x1] =	wrdreg $0xFFFFFFFF  }
0xad: {  	[dreg:$0x0] =	wrdreg $0x60  }
0xae: {  	[dreg:$0x2] =	wrdreg s2  }
0xaf: {  	[dreg:$0x3] =	wrdreg s24  }
0xb0: {  	[dreg:$0x4] =	wrdreg $0x90000  }
0xb1: {  	[dreg:$0x5] =	wrdreg $0x9  }
0xb2: {  	_ =	task.clear_ibuf [dreg:s7], $0x6FFFF;
	_ =	strace $0x90000049  }
0xb3: {  	s29 =	simm.s32 $0x9;
	_ =	strace $0x8000004B  }
0xb4: {  	_ =	swait.ge [sflag:s29], $0x1  }
0xb5: {  	[sflag:s29] =	ssyncadd.s32 $0xFFFFFFFF  }
0xb6: {  	_ =	strace $0x9000004B  }
0xb7: {  	_ =	sfence  }
0xb8: {  	s30 =	sld [smem:$0x0];
	_ =	sdelay $0x2  }
0xb9: {  	s31 =	sshll.u32 s1, $0xD;
	s1 =	sshrl.u32 s1, $0x2  }
0xba: {  	s3 =	sand.u32 $0x4000, s31;
	s1 =	sadd.s32 s1, s30  }
0xbb: {  	s0 =	sor.u32 s3, s0;
	s1 =	sshll.u32 s1, $0x11  }
0xbc: {  	s0 =	sor.u32 s1, s0  }
0xbd: {  	s0 =	sadd.s32 $0x8F2B, s0  }
0xbe: {  	[sflag:s0] =	ssyncadd.remote.s32 $0x1  }
0xbf: {  	_ =	sfence.sel $0xFFFF  }
0xc0: {  	[dreg:$0x0] =	wrdreg $0xFFFFFFFF;
	(pc) =	sbr.abs _section_cstart, $3  }
0xc1: {  	[dreg:$0x1] =	wrdreg $0xFFFFFFFF  }
0xc2: {  	_ =	task.clear_ibuf [dreg:s7], $0x2FFFF;
	_ =	strace $0x9FFFFFFF  }
0xc3: {  	(tm) =	ssettm $0x7FFFFFFF  }
tec
execute0_lowered:
.L_overlay_start_1:
0x0: {  	(tag) =	ssettag $0x1  }
0x1: {  	s2 =	rddreg [dreg:$0x0]  }
0x2: {  	s6 =	rddreg [dreg:$0x1]  }
0x3: {  	s0 =	srdreg.scid;
	s3 =	rddreg [dreg:$0x2];
	s4 =	simm.s32 $0x0  }
0x4: {  	s14 =	simm.s32 $0x80;
	s15 =	simm.s32 $0x5000;
	s5 =	sand.u32 $0x1, s0  }
0x5: {  	s16 =	simm.s32 $0x0;
	s0 =	stileid.u32;
	s8 =	smul.u32 $0x140000, s5  }
0x6: {  	[smem:$0x7FF] =	sst s4;
	s1 =	sshll.u32 s5, $0x4;
	s9 =	smul.u32 $0x14000, s0  }
0x7: {  	s26 =	ssub.s32 $0x2, s5;
	s28 =	smul.u32 $0x50000, s0;
	s5 =	sadd.s32 $0x16E00, s6  }
0x8: {  	s31 =	sshll.u32 s0, $0x6;
	s1 =	sor.u32 s0, s1;
	s29 =	sshrl.u32 s26, $0x1  }
0x9: {  	s7 =	smul.u32 $0x500, s1;
	s1 =	rddreg [dreg:$0x3];
	_ =	strace $0x8000004A  }
0xa: {  	s25 =	sadd.s32 s9, s8;
	s12 =	ssub.s32 s26, s29;
	s30 =	sshrl.u32 s28, $0x2  }
0xb: {  	s13 =	sadd.s32 s30, s3;
	s10 =	sadd.s32 s7, s6;
	s7 =	sshrl.u32 s25, $0x3  }
0xc: {  	s11 =	sadd.s32 s7, s6;
	s6 =	sor.u32 $0x1C01, s31;
	s7 =	sadd.s32 $0xCE00, s10  }
0xd: {  	s8 =	sadd.s32 $0x2800, s10;
	s10 =	smax.u32 s12, $0x1;
	s12 =	simm.s32 $0x1  }
0xe: {  	s9 =	sadd.s32 $0x19600, s11;
	s11 =	sshrl.u32 s13, $0x3;
	s13 =	simm.s32 $0x2800  }
.LBB2_1:
0xf: {  	[spmem:s11], [sflag:s6] =	dma.local [hbm:s5], $0x2800  }
0x10: {  	_ =	swait.ge [sflag:s12], $0x2800  }
0x11: {  	[sflag:s12] =	ssyncset.done $0x0  }
0x12: {  	[sflag:s12] =	ssyncadd.s32 $0xFFFFD800  }
0x13: {  	[tilespmem:s4], [sflag:$0x1] =	stream.linear.gather [hbm4b:s7+s4], $0x2780, $0x38;
	[tilespmem:$0x1D000] =	vst v63  }
0x14: {  	_ =	swait.ge [sflag:s12], $0x2780  }
0x15: {  	[sflag:s12] =	ssyncset.done $0x0  }
0x16: {  	[sflag:s12] =	ssyncadd.s32 $0xFFFFD880  }
0x17: {  	[tilespmem:s13], [sflag:$0x1] =	stream.linear.gather [hbm4b:s8+s4], $0x2780, $0x38;
	[tilespmem:$0x1D000] =	vst v63  }
0x18: {  	_ =	swait.ge [sflag:s12], $0x2780  }
0x19: {  	[sflag:s12] =	ssyncset.done $0x0  }
0x1a: {  	[sflag:s12] =	ssyncadd.s32 $0xFFFFD880  }
0x1b: {  	s17 =	simm.s32 $0x0;
	[bflag:$0x0] =	sbarrier.arrive $0xFFFF  }
0x1c: {  	[tilespmem:s15], [sflag:$0x1] =	stream.indirect.gather [hbm4b:s2+s14], $0x80, s17, s14, $0xb8;
	[tilespmem:$0x1D000] =	vst v63  }
0x1d: {  	_ =	swait.ge [sflag:s12], $0x4000  }
0x1e: {  	[sflag:s12] =	ssyncset.done $0x0  }
0x1f: {  	s31 =	simm.s32 $0x2800;
	[sflag:s12] =	ssyncadd.s32 $0xFFFFC000  }
0x20: {  	[spmem:s3] =	stream.indirect.scatter.add.f32 [tilespmem:s15], [sflag:$0x1], $0x80, s31, s14, $0xb8;
	[tilespmem:$0x1D000] =	vst v63  }
0x21: {  	_ =	swait.ge [sflag:s12], $0x4000  }
0x22: {  	s18 =	simm.s32 $0x400;
	s17 =	simm.s32 $0x200;
	[sflag:s12] =	ssyncset.done $0x0  }
.LBB2_2:
0x23: {  	s19 =	sshra.s32 s17, $0x2  }
0x24: {  	[sflag:s12] =	ssyncadd.s32 $0xFFFFC000;
	s17 =	smov.u32 s18;
	s20 =	sadd.s32 $0x200, s18  }
0x25: {  	[tilespmem:s15], [sflag:$0x1] =	stream.indirect.gather [hbm4b:s2+s14], $0x80, s19, s14, $0xb8;
	[tilespmem:$0x1D000] =	vst v63  }
0x26: {  	p0 =	sne.s32 s18, $0x9C00;
	_ =	swait.ge [sflag:s12], $0x4000  }
.Ltmp0:
0x27: {  	[sflag:s12] =	ssyncset.done $0x0;
	(pc) =	sbr.rel @p0 .LBB2_2-.Ltmp0, $4  }
0x28: {  	s18 =	sadd.s32 $0x2800, s19;
	[sflag:s12] =	ssyncadd.s32 $0xFFFFC000  }
0x29: {  	[spmem:s3] =	stream.indirect.scatter.add.f32 [tilespmem:s15], [sflag:$0x1], $0x80, s18, s14, $0xb8;
	[tilespmem:$0x1D000] =	vst v63  }
0x2a: {  	_ =	swait.ge [sflag:s12], $0x4000  }
0x2b: {  	s18 =	smov.u32 s20;
	[sflag:s12] =	ssyncset.done $0x0  }
0x2c: {  	s17 =	sshra.s32 s17, $0x2;
	[sflag:s12] =	ssyncadd.s32 $0xFFFFC000  }
0x2d: {  	[tilespmem:s15], [sflag:$0x1] =	stream.indirect.gather [hbm4b:s2+s14], $0x80, s17, s14, $0xb8;
	[tilespmem:$0x1D000] =	vst v63  }
0x2e: {  	_ =	swait.ge [sflag:s12], $0x4000  }
0x2f: {  	[sflag:s12] =	ssyncset.done $0x0  }
0x30: {  	s17 =	sadd.s32 $0x2800, s17;
	[sflag:s12] =	ssyncadd.s32 $0xFFFFC000  }
0x31: {  	[spmem:s3] =	stream.indirect.scatter.add.f32 [tilespmem:s15], [sflag:$0x1], $0x80, s17, s14, $0xb8;
	[tilespmem:$0x1D000] =	vst v63  }
0x32: {  	_ =	swait.ge [sflag:s12], $0x4000  }
0x33: {  	s16 =	sadd.s32 $0x1, s16;
	[sflag:s12] =	ssyncset.done $0x0  }
0x34: {  	p0 =	sne.s32 s16, s10;
	[sflag:s12] =	ssyncadd.s32 $0xFFFFC000  }
.Ltmp1:
0x35: {  	[bflag:$0x0] =	sbarrier.arrive $0xFFFF;
	(pc) =	sbr.rel @p0 .LBB2_1-.Ltmp1, $4  }
0x36: {  	[hbm:s9], [sflag:s6] =	dma.local [spmem:s11], $0x2800  }
0x37: {  	_ =	swait.ge [sflag:s12], $0x2800  }
0x38: {  	[sflag:s12] =	ssyncset.done $0x0  }
0x39: {  	[sflag:s12] =	ssyncadd.s32 $0xFFFFD800  }
0x3a: {  	_ =	sfence.sel $0x180000  }
0x3b: {  	[bflag:$0x0] =	sbarrier.arrive $0xFFFF  }
0x3c: {  	p0 =	sne.s32 s0, $0x0;
	_ =	strace $0x9000004A  }
0x3d: {  	s0 =	sadd.s32 @!p0 $0x100000, s1;
	[bflag:$0x2] =	sbarrier.arrive $0xFFFF  }
0x3e: {  	[sflag:s0] =	ssyncadd.tile.s32 @!p0 $0x1;
	_ =	shalt  }
.Lfunc_end2:
_tile_overlayer_lowered:
.L_overlay_start_2:
0x3f: {  	(tag) =	ssettag $0x2  }
0x40: {  	s0 =	rddreg [dreg:$0x0];
	s2 =	stileid.u32  }
0x41: {  	s1 =	rddreg [dreg:$0x1];
	p0 =	sne.s32 s2, $0x0  }
0x42: {  	s3 =	rddreg [dreg:$0x2];
	[bflag:$0x3] =	sbarrier.arrive $0xFFFF;
	s2 =	simm.s32 @!p0 $0x1C01  }
0x43: {  	[timem:s3], [sflag:s2] =	dma.local @!p0 [hbm:s0], s1  }
0x44: {  	s0 =	simm.s32 @!p0 $0x1  }
0x45: {  	_ =	swait.ge @!p0 [sflag:s0], s1  }
0x46: {  	s1 =	ssub.s32 @!p0 $0x0, s1;
	[sflag:s0] =	ssyncset.done @!p0 $0x0  }
0x47: {  	[sflag:s0] =	ssyncadd.s32 @!p0 s1  }
0x48: {  	[bflag:$0x3] =	sbarrier.arrive $0xFFFF  }
0x49: {  	_ =	shalt  }

// kernel: kernel.14.cloned.1.call-start
scs
__scs_entry_jumppad:
0x0: {  	(pc) =	sbr.rel $0x88, $3  }
0x1: {  	(tag) =	ssettag $0x0;
	lr =	simm.s32 $0x1  }
0x2: {  	[smem:$0x3F9B] =	sst lr;
	_ =	strace $0xD0000000  }
0x3: {  	_ = 	snop  }
0x4: {  	_ = 	snop  }
0x5: {  	_ = 	snop  }
0x6: {  	_ = 	snop  }
0x7: {  	_ = 	snop  }
__scs_overlays_trampoline_lowered:
0x8: {  	[smem:$0x3FAA] =	sst s0  }
0x9: {  	[smem:$0x3FAB] =	sst s1  }
0xa: {  	[smem:$0x3FAC] =	sst s2  }
0xb: {  	[smem:$0x3FAD] =	sst s3  }
0xc: {  	[smem:$0x3FAE] =	sst s4  }
0xd: {  	[smem:$0x3FAF] =	sst s5  }
0xe: {  	[smem:$0x3FB0] =	sst s6  }
0xf: {  	[smem:$0x3FB1] =	sst s7  }
0x10: {  	[smem:$0x3FB2] =	sst s8  }
0x11: {  	[smem:$0x3FB3] =	sst s9;
	s0 =	simm.s32 @!p0 $0x0  }
0x12: {  	s1 =	sld [smem:$0x3F99];
	s0 =	simm.s32 @p0 $0x1  }
0x13: {  	[smem:$0x3FB4] =	sst s0;
	s0 =	simm.s32 @!p1 $0x0  }
0x14: {  	s2 =	sld [smem:$0x3F98];
	s0 =	simm.s32 @p1 $0x1  }
0x15: {  	[smem:$0x3FB5] =	sst s0;
	s0 =	simm.s32 @!p2 $0x0  }
0x16: {  	s3 =	sld [smem:$0x3FDB];
	s0 =	simm.s32 @p2 $0x1  }
0x17: {  	s4 =	simm.s32 $0x1BF5;
	[smem:$0x3FB7] =	sst s0  }
0x18: {  	s0 =	sld [smem:$0x3F9A];
	_ =	swait.ge [sflag:s4], $0x0  }
0x19: {  	s7 =	sld [smem:$0x3F9B]  }
0x1a: {  	s8 =	sadd.s32 $0xFFFFE003, lr  }
0x1b: {  	s9 =	sadd.s32 $0xFFFFFEF7, lr;
	s5 =	simm.s32 $0xFFFFFFFF;
	p2 =	slt.u32 s8, $0xFFFFF086  }
0x1c: {  	p1 =	slt.u32 s9, $0xF7A;
	s5 =	simm.s32 @!p2 $0x0  }
0x1d: {  	s5 =	simm.s32 @p1 $0x1;
	p0 =	seq.s32 s7, s2  }
0x1e: {  	s7 =	smul.u32 @!p0 $0xF7A, s2;
	p2 =	seq.s32 @!p0 s5, $0x0  }
0x1f: {  	s9 =	smul.u32 $0xF7A, s1;
	s8 =	simm.s32 @!p0 $0x1BF5;
	p2 =	por !p2, p0  }
0x20: {  	[sflag:s8] =	ssyncset.s32 @!p0 $0xFFFFF086;
	s6 =	sadd.s32 @!p0 s3, s7;
	s7 =	simm.s32 @!p0 $0x108  }
0x21: {  	s3 =	sadd.s32 s3, s9;
	s6 =	sadd.s32 @!p0 $0x88, s6;
	s7 =	simm.s32 @p2 $0x1082  }
0x22: {  	[simem:s7], [sflag:s8] =	dma.local @!p0 [hbm:s6], $0xF7A  }
0x23: {  	s9 =	sor.u32 $0xD0000000, s2;
	s6 =	simm.s32 $0x108;
	_ =	swait.ge @!p0 [sflag:s8], $0x0  }
0x24: {  	s3 =	sadd.s32 $0x88, s3;
	s6 =	simm.s32 @!p1 $0x1082;
	[sflag:s4] =	ssyncset.s32 $0xFFFFF086  }
0x25: {  	[simem:s6], [sflag:s4] =	dma.local [hbm:s3], $0xF7A  }
0x26: {  	[smem:$0x3F9B] =	sst s1;
	(tag) =	ssettag s2;
	_ =	strace s9  }
0x27: {  	s1 =	sld [smem:$0x3FAB]  }
0x28: {  	s2 =	sld [smem:$0x3FAC]  }
0x29: {  	s4 =	sld [smem:$0x3FAE]  }
0x2a: {  	p0 =	seq.s32 s5, $0x0;
	s5 =	sld [smem:$0x3FAF]  }
0x2b: {  	s6 =	sld [smem:$0x3FB0]  }
0x2c: {  	s7 =	sld [smem:$0x3FB1]  }
0x2d: {  	s3 =	simm.s32 $0x108;
	s8 =	sld [smem:$0x3FB2]  }
0x2e: {  	s3 =	simm.s32 @!p0 $0x1082;
	s9 =	sld [smem:$0x3FB3]  }
0x2f: {  	lr =	sadd.s32 s0, s3;
	s0 =	sld [smem:$0x3FAA]  }
0x30: {  	s3 =	sld [smem:$0x3FAD]  }
0x31: {  	[smem:$0x3FB6] =	sst s10  }
0x32: {  	s10 =	sld [smem:$0x3FB4];
	_ =	sdelay $0x3  }
0x33: {  	p0 =	seq.s32 s10, $0x1;
	s10 =	sld [smem:$0x3FB6];
	_ =	sdelay $0x3  }
0x34: {  	[smem:$0x3FB6] =	sst s10  }
0x35: {  	s10 =	sld [smem:$0x3FB5];
	_ =	sdelay $0x3  }
0x36: {  	p1 =	seq.s32 s10, $0x1;
	s10 =	sld [smem:$0x3FB6];
	_ =	sdelay $0x3  }
0x37: {  	[smem:$0x3FB6] =	sst s10  }
0x38: {  	s10 =	sld [smem:$0x3FB7]  }
0x39: {  	_ = 	snop;
	(pc) =	sbr.ind lr, $3  }
0x3a: {  	_ = 	snop  }
0x3b: {  	_ = 	snop  }
0x3c: {  	p2 =	seq.s32 s10, $0x1;
	s10 =	sld [smem:$0x3FB6]  }
0x3d: {  	_ =	shalt  }
0x3e: {  	_ =	shalt  }
0x3f: {  	_ =	shalt  }
0x40: {  	_ =	shalt  }
0x41: {  	_ =	shalt  }
0x42: {  	_ =	shalt  }
0x43: {  	_ =	shalt  }
0x44: {  	_ =	shalt  }
0x45: {  	_ =	shalt  }
0x46: {  	_ =	shalt  }
0x47: {  	_ =	shalt  }
0x48: {  	_ =	shalt  }
0x49: {  	_ =	shalt  }
0x4a: {  	_ =	shalt  }
0x4b: {  	_ =	shalt  }
0x4c: {  	_ =	shalt  }
0x4d: {  	_ =	shalt  }
0x4e: {  	_ =	shalt  }
0x4f: {  	_ =	shalt  }
0x50: {  	_ =	shalt  }
0x51: {  	_ =	shalt  }
0x52: {  	_ =	shalt  }
0x53: {  	_ =	shalt  }
0x54: {  	_ =	shalt  }
0x55: {  	_ =	shalt  }
0x56: {  	_ =	shalt  }
0x57: {  	_ =	shalt  }
0x58: {  	_ =	shalt  }
0x59: {  	_ =	shalt  }
0x5a: {  	_ =	shalt  }
0x5b: {  	_ =	shalt  }
0x5c: {  	_ =	shalt  }
0x5d: {  	_ =	shalt  }
0x5e: {  	_ =	shalt  }
0x5f: {  	_ =	shalt  }
0x60: {  	_ =	shalt  }
0x61: {  	_ =	shalt  }
0x62: {  	_ =	shalt  }
0x63: {  	_ =	shalt  }
0x64: {  	_ =	shalt  }
0x65: {  	_ =	shalt  }
0x66: {  	_ =	shalt  }
0x67: {  	_ =	shalt  }
0x68: {  	_ =	shalt  }
0x69: {  	_ =	shalt  }
0x6a: {  	_ =	shalt  }
0x6b: {  	_ =	shalt  }
0x6c: {  	_ =	shalt  }
0x6d: {  	_ =	shalt  }
0x6e: {  	_ =	shalt  }
0x6f: {  	_ =	shalt  }
0x70: {  	_ =	shalt  }
0x71: {  	_ =	shalt  }
0x72: {  	_ =	shalt  }
0x73: {  	_ =	shalt  }
0x74: {  	_ =	shalt  }
0x75: {  	_ =	shalt  }
0x76: {  	_ =	shalt  }
0x77: {  	_ =	shalt  }
0x78: {  	_ =	shalt  }
0x79: {  	_ =	shalt  }
0x7a: {  	_ =	shalt  }
0x7b: {  	_ =	shalt  }
0x7c: {  	_ =	shalt  }
0x7d: {  	_ =	shalt  }
0x7e: {  	_ =	shalt  }
0x7f: {  	_ =	shalt  }
0x80: {  	_ =	shalt  }
0x81: {  	_ =	shalt  }
0x82: {  	_ =	shalt  }
0x83: {  	_ =	shalt  }
0x84: {  	_ =	shalt  }
0x85: {  	_ =	shalt  }
0x86: {  	_ =	shalt  }
0x87: {  	_ =	shalt  }
.Lfunc_end0:
.L_simem_size_0:
called_computation.2_lowered:
.L_overlay_start_0:
0x88: {  	s2 =	sld [smem:$0x3FD9]  }
0x89: {  	s3 =	sld [smem:$0x3FFE];
	_ =	sdelay $0x1  }
0x8a: {  	s1 =	srdreg.scid  }
0x8b: {  	s0 =	sand.u32 $0x1, s1  }
0x8c: {  	s17 =	sshll.u32 s0, $0xA;
	s2 =	sadd.s32 s3, s2  }
0x8d: {  	s2 =	sadd.s32 s2, s17  }
0x8e: {  	[smem:$0x3FC2] =	sst s2  }
0x8f: {  	_ = 	snop  }
0x90: {  	s2 =	sld [smem:$0x3FD0];
	(tm) =	ssettm $0x1  }
0x91: {  	s18 =	sld [smem:$0x3FFB];
	_ =	sdelay $0x3  }
0x92: {  	_ =	strace s18  }
0x93: {  	s3 =	sld [smem:$0x3FFC];
	_ =	sdelay $0x3  }
0x94: {  	_ =	strace s3  }
0x95: {  	s3 =	sld [smem:$0x3FFD];
	_ =	sdelay $0x3  }
0x96: {  	_ =	strace s3  }
0x97: {  	_ =	strace $0x8FFFFFFF  }
0x98: {  	s19 =	sld [smem:$0x3FDB];
	_ =	sdelay $0x1  }
0x99: {  	s4 =	simm.s32 $_scs_section_size  }
0x9a: {  	s5 =	simm.s32 $_size__tile_overlayer_lowered;
	s6 =	simm.s32 $_tile_overlayer_lowered  }
0x9b: {  	s22 =	simm.s32 $0x1BFF;
	s21 =	sshll.u32 s6, $0x1;
	s3 =	sadd.s32 s4, s19  }
0x9c: {  	s7 =	simm.s32 $0x0;
	s20 =	sshll.u32 s5, $0x1;
	s5 =	sadd.s32 s21, s3  }
0x9d: {  	[timem:s7], [sflag:s22] =	dma.local [hbm:s5], s20  }
0x9e: {  	_ =	swait.ge [sflag:s22], s20  }
0x9f: {  	s4 =	ssub.s32 $0x0, s20;
	[sflag:s22] =	ssyncset.done $0x0  }
0xa0: {  	[sflag:s22] =	ssyncadd.s32 s4;
	_ =	sdelay $0x1  }
0xa1: {  	s23 =	simm.s32 $0x1B8B  }
0xa2: {  	_ =	swait.ge [sflag:s23], $0x1  }
0xa3: {  	[sflag:s23] =	ssyncset.done $0x0  }
0xa4: {  	s25 =	simm.s32 $0x1B8E;
	s24 =	sld [smem:$0x3FFE];
	[sflag:s23] =	ssyncadd.s32 $0xFFFFFFFF  }
0xa5: {  	s26 =	simm.s32 $execute0_lowered;
	[smem:$0x3FD2] =	sst s25  }
0xa6: {  	s5 =	sshll.u32 s26, $0x1;
	_ =	strace $0x8000004C;
	[dreg:$0x1] =	wrdreg $0xFFFFFFFF  }
0xa7: {  	s28 =	simm.s32 $_size_execute0_lowered;
	s3 =	sadd.s32 s3, s5;
	[dreg:$0x0] =	wrdreg $0x0  }
0xa8: {  	s5 =	sshll.u32 s28, $0x1;
	[dreg:$0x2] =	wrdreg s3  }
0xa9: {  	[dreg:$0x3] =	wrdreg s5  }
0xaa: {  	[dreg:$0x4] =	wrdreg $0xC0  }
0xab: {  	_ =	task [dreg:s7], $0x5FFFF  }
0xac: {  	[dreg:$0x1] =	wrdreg $0xFFFFFFFF  }
0xad: {  	[dreg:$0x0] =	wrdreg $0x60  }
0xae: {  	[dreg:$0x2] =	wrdreg s2  }
0xaf: {  	[dreg:$0x3] =	wrdreg s24  }
0xb0: {  	[dreg:$0x4] =	wrdreg $0x90000  }
0xb1: {  	[dreg:$0x5] =	wrdreg $0x9  }
0xb2: {  	_ =	task.clear_ibuf [dreg:s7], $0x6FFFF;
	_ =	strace $0x9000004C  }
0xb3: {  	s29 =	simm.s32 $0x9;
	_ =	strace $0x8000004E  }
0xb4: {  	_ =	swait.ge [sflag:s29], $0x1  }
0xb5: {  	[sflag:s29] =	ssyncadd.s32 $0xFFFFFFFF  }
0xb6: {  	_ =	strace $0x9000004E  }
0xb7: {  	_ =	sfence  }
0xb8: {  	s30 =	sld [smem:$0x0];
	_ =	sdelay $0x2  }
0xb9: {  	s31 =	sshll.u32 s1, $0xD;
	s1 =	sshrl.u32 s1, $0x2  }
0xba: {  	s3 =	sand.u32 $0x4000, s31;
	s1 =	sadd.s32 s1, s30  }
0xbb: {  	s0 =	sor.u32 s3, s0;
	s1 =	sshll.u32 s1, $0x11  }
0xbc: {  	s0 =	sor.u32 s1, s0  }
0xbd: {  	s0 =	sadd.s32 $0x8F2B, s0  }
0xbe: {  	[sflag:s0] =	ssyncadd.remote.s32 $0x1  }
0xbf: {  	_ =	sfence.sel $0xFFFF  }
0xc0: {  	[dreg:$0x0] =	wrdreg $0xFFFFFFFF;
	(pc) =	sbr.abs _section_cstart, $3  }
0xc1: {  	[dreg:$0x1] =	wrdreg $0xFFFFFFFF  }
0xc2: {  	_ =	task.clear_ibuf [dreg:s7], $0x2FFFF;
	_ =	strace $0x9FFFFFFF  }
0xc3: {  	(tm) =	ssettm $0x7FFFFFFF  }
tec
execute0_lowered:
.L_overlay_start_1:
0x0: {  	(tag) =	ssettag $0x1  }
0x1: {  	s2 =	rddreg [dreg:$0x0]  }
0x2: {  	s6 =	rddreg [dreg:$0x1]  }
0x3: {  	s0 =	srdreg.scid;
	s3 =	rddreg [dreg:$0x2];
	s4 =	simm.s32 $0x0  }
0x4: {  	s14 =	simm.s32 $0x80;
	s15 =	simm.s32 $0x5000;
	s5 =	sand.u32 $0x1, s0  }
0x5: {  	s16 =	simm.s32 $0x0;
	s0 =	stileid.u32;
	s8 =	smul.u32 $0x140000, s5  }
0x6: {  	[smem:$0x7FF] =	sst s4;
	s1 =	sshll.u32 s5, $0x4;
	s9 =	smul.u32 $0x14000, s0  }
0x7: {  	s26 =	ssub.s32 $0x2, s5;
	s28 =	smul.u32 $0x50000, s0;
	s5 =	sadd.s32 $0x16E00, s6  }
0x8: {  	s31 =	sshll.u32 s0, $0x6;
	s1 =	sor.u32 s0, s1;
	s29 =	sshrl.u32 s26, $0x1  }
0x9: {  	s7 =	smul.u32 $0x500, s1;
	s1 =	rddreg [dreg:$0x3];
	_ =	strace $0x8000004D  }
0xa: {  	s25 =	sadd.s32 s9, s8;
	s12 =	ssub.s32 s26, s29;
	s30 =	sshrl.u32 s28, $0x2  }
0xb: {  	s13 =	sadd.s32 s30, s3;
	s10 =	sadd.s32 s7, s6;
	s7 =	sshrl.u32 s25, $0x3  }
0xc: {  	s11 =	sadd.s32 s7, s6;
	s6 =	sor.u32 $0x1C01, s31;
	s7 =	sadd.s32 $0xCE00, s10  }
0xd: {  	s8 =	sadd.s32 $0x2800, s10;
	s10 =	smax.u32 s12, $0x1;
	s12 =	simm.s32 $0x1  }
0xe: {  	s9 =	sadd.s32 $0x19600, s11;
	s11 =	sshrl.u32 s13, $0x3;
	s13 =	simm.s32 $0x2800  }
.LBB2_1:
0xf: {  	[spmem:s11], [sflag:s6] =	dma.local [hbm:s5], $0x2800  }
0x10: {  	_ =	swait.ge [sflag:s12], $0x2800  }
0x11: {  	[sflag:s12] =	ssyncset.done $0x0  }
0x12: {  	[sflag:s12] =	ssyncadd.s32 $0xFFFFD800  }
0x13: {  	[tilespmem:s4], [sflag:$0x1] =	stream.linear.gather [hbm4b:s7+s4], $0x2780, $0x38;
	[tilespmem:$0x1D000] =	vst v63  }
0x14: {  	_ =	swait.ge [sflag:s12], $0x2780  }
0x15: {  	[sflag:s12] =	ssyncset.done $0x0  }
0x16: {  	[sflag:s12] =	ssyncadd.s32 $0xFFFFD880  }
0x17: {  	[tilespmem:s13], [sflag:$0x1] =	stream.linear.gather [hbm4b:s8+s4], $0x2780, $0x38;
	[tilespmem:$0x1D000] =	vst v63  }
0x18: {  	_ =	swait.ge [sflag:s12], $0x2780  }
0x19: {  	[sflag:s12] =	ssyncset.done $0x0  }
0x1a: {  	[sflag:s12] =	ssyncadd.s32 $0xFFFFD880  }
0x1b: {  	s17 =	simm.s32 $0x0;
	[bflag:$0x0] =	sbarrier.arrive $0xFFFF  }
0x1c: {  	[tilespmem:s15], [sflag:$0x1] =	stream.indirect.gather [hbm4b:s2+s14], $0x80, s17, s14, $0xb8;
	[tilespmem:$0x1D000] =	vst v63  }
0x1d: {  	_ =	swait.ge [sflag:s12], $0x4000  }
0x1e: {  	[sflag:s12] =	ssyncset.done $0x0  }
0x1f: {  	s31 =	simm.s32 $0x2800;
	[sflag:s12] =	ssyncadd.s32 $0xFFFFC000  }
0x20: {  	[spmem:s3] =	stream.indirect.scatter.add.f32 [tilespmem:s15], [sflag:$0x1], $0x80, s31, s14, $0xb8;
	[tilespmem:$0x1D000] =	vst v63  }
0x21: {  	_ =	swait.ge [sflag:s12], $0x4000  }
0x22: {  	s18 =	simm.s32 $0x400;
	s17 =	simm.s32 $0x200;
	[sflag:s12] =	ssyncset.done $0x0  }
.LBB2_2:
0x23: {  	s19 =	sshra.s32 s17, $0x2  }
0x24: {  	[sflag:s12] =	ssyncadd.s32 $0xFFFFC000;
	s17 =	smov.u32 s18;
	s20 =	sadd.s32 $0x200, s18  }
0x25: {  	[tilespmem:s15], [sflag:$0x1] =	stream.indirect.gather [hbm4b:s2+s14], $0x80, s19, s14, $0xb8;
	[tilespmem:$0x1D000] =	vst v63  }
0x26: {  	p0 =	sne.s32 s18, $0x9C00;
	_ =	swait.ge [sflag:s12], $0x4000  }
.Ltmp0:
0x27: {  	[sflag:s12] =	ssyncset.done $0x0;
	(pc) =	sbr.rel @p0 .LBB2_2-.Ltmp0, $4  }
0x28: {  	s18 =	sadd.s32 $0x2800, s19;
	[sflag:s12] =	ssyncadd.s32 $0xFFFFC000  }
0x29: {  	[spmem:s3] =	stream.indirect.scatter.add.f32 [tilespmem:s15], [sflag:$0x1], $0x80, s18, s14, $0xb8;
	[tilespmem:$0x1D000] =	vst v63  }
0x2a: {  	_ =	swait.ge [sflag:s12], $0x4000  }
0x2b: {  	s18 =	smov.u32 s20;
	[sflag:s12] =	ssyncset.done $0x0  }
0x2c: {  	s17 =	sshra.s32 s17, $0x2;
	[sflag:s12] =	ssyncadd.s32 $0xFFFFC000  }
0x2d: {  	[tilespmem:s15], [sflag:$0x1] =	stream.indirect.gather [hbm4b:s2+s14], $0x80, s17, s14, $0xb8;
	[tilespmem:$0x1D000] =	vst v63  }
0x2e: {  	_ =	swait.ge [sflag:s12], $0x4000  }
0x2f: {  	[sflag:s12] =	ssyncset.done $0x0  }
0x30: {  	s17 =	sadd.s32 $0x2800, s17;
	[sflag:s12] =	ssyncadd.s32 $0xFFFFC000  }
0x31: {  	[spmem:s3] =	stream.indirect.scatter.add.f32 [tilespmem:s15], [sflag:$0x1], $0x80, s17, s14, $0xb8;
	[tilespmem:$0x1D000] =	vst v63  }
0x32: {  	_ =	swait.ge [sflag:s12], $0x4000  }
0x33: {  	s16 =	sadd.s32 $0x1, s16;
	[sflag:s12] =	ssyncset.done $0x0  }
0x34: {  	p0 =	sne.s32 s16, s10;
	[sflag:s12] =	ssyncadd.s32 $0xFFFFC000  }
.Ltmp1:
0x35: {  	[bflag:$0x0] =	sbarrier.arrive $0xFFFF;
	(pc) =	sbr.rel @p0 .LBB2_1-.Ltmp1, $4  }
0x36: {  	[hbm:s9], [sflag:s6] =	dma.local [spmem:s11], $0x2800  }
0x37: {  	_ =	swait.ge [sflag:s12], $0x2800  }
0x38: {  	[sflag:s12] =	ssyncset.done $0x0  }
0x39: {  	[sflag:s12] =	ssyncadd.s32 $0xFFFFD800  }
0x3a: {  	_ =	sfence.sel $0x180000  }
0x3b: {  	[bflag:$0x0] =	sbarrier.arrive $0xFFFF  }
0x3c: {  	p0 =	sne.s32 s0, $0x0;
	_ =	strace $0x9000004D  }
0x3d: {  	s0 =	sadd.s32 @!p0 $0x100000, s1;
	[bflag:$0x2] =	sbarrier.arrive $0xFFFF  }
0x3e: {  	[sflag:s0] =	ssyncadd.tile.s32 @!p0 $0x1;
	_ =	shalt  }
.Lfunc_end2:
_tile_overlayer_lowered:
.L_overlay_start_2:
0x3f: {  	(tag) =	ssettag $0x2  }
0x40: {  	s0 =	rddreg [dreg:$0x0];
	s2 =	stileid.u32  }
0x41: {  	s1 =	rddreg [dreg:$0x1];
	p0 =	sne.s32 s2, $0x0  }
0x42: {  	s3 =	rddreg [dreg:$0x2];
	[bflag:$0x3] =	sbarrier.arrive $0xFFFF;
	s2 =	simm.s32 @!p0 $0x1C01  }
0x43: {  	[timem:s3], [sflag:s2] =	dma.local @!p0 [hbm:s0], s1  }
0x44: {  	s0 =	simm.s32 @!p0 $0x1  }
0x45: {  	_ =	swait.ge @!p0 [sflag:s0], s1  }
0x46: {  	s1 =	ssub.s32 @!p0 $0x0, s1;
	[sflag:s0] =	ssyncset.done @!p0 $0x0  }
0x47: {  	[sflag:s0] =	ssyncadd.s32 @!p0 s1  }
0x48: {  	[bflag:$0x3] =	sbarrier.arrive $0xFFFF  }
0x49: {  	_ =	shalt  }

// kernel: kernel.8.cloned.1.call-start
scs
__scs_entry_jumppad:
0x0: {  	(pc) =	sbr.rel $0x88, $3  }
0x1: {  	(tag) =	ssettag $0x0;
	lr =	simm.s32 $0x1  }
0x2: {  	[smem:$0x3F9B] =	sst lr;
	_ =	strace $0xD0000000  }
0x3: {  	_ = 	snop  }
0x4: {  	_ = 	snop  }
0x5: {  	_ = 	snop  }
0x6: {  	_ = 	snop  }
0x7: {  	_ = 	snop  }
__scs_overlays_trampoline_lowered:
0x8: {  	[smem:$0x3FAA] =	sst s0  }
0x9: {  	[smem:$0x3FAB] =	sst s1  }
0xa: {  	[smem:$0x3FAC] =	sst s2  }
0xb: {  	[smem:$0x3FAD] =	sst s3  }
0xc: {  	[smem:$0x3FAE] =	sst s4  }
0xd: {  	[smem:$0x3FAF] =	sst s5  }
0xe: {  	[smem:$0x3FB0] =	sst s6  }
0xf: {  	[smem:$0x3FB1] =	sst s7  }
0x10: {  	[smem:$0x3FB2] =	sst s8  }
0x11: {  	[smem:$0x3FB3] =	sst s9;
	s0 =	simm.s32 @!p0 $0x0  }
0x12: {  	s1 =	sld [smem:$0x3F99];
	s0 =	simm.s32 @p0 $0x1  }
0x13: {  	[smem:$0x3FB4] =	sst s0;
	s0 =	simm.s32 @!p1 $0x0  }
0x14: {  	s2 =	sld [smem:$0x3F98];
	s0 =	simm.s32 @p1 $0x1  }
0x15: {  	[smem:$0x3FB5] =	sst s0;
	s0 =	simm.s32 @!p2 $0x0  }
0x16: {  	s3 =	sld [smem:$0x3FDB];
	s0 =	simm.s32 @p2 $0x1  }
0x17: {  	s4 =	simm.s32 $0x1BF5;
	[smem:$0x3FB7] =	sst s0  }
0x18: {  	s0 =	sld [smem:$0x3F9A];
	_ =	swait.ge [sflag:s4], $0x0  }
0x19: {  	s7 =	sld [smem:$0x3F9B]  }
0x1a: {  	s8 =	sadd.s32 $0xFFFFE003, lr  }
0x1b: {  	s9 =	sadd.s32 $0xFFFFFEF7, lr;
	s5 =	simm.s32 $0xFFFFFFFF;
	p2 =	slt.u32 s8, $0xFFFFF086  }
0x1c: {  	p1 =	slt.u32 s9, $0xF7A;
	s5 =	simm.s32 @!p2 $0x0  }
0x1d: {  	s5 =	simm.s32 @p1 $0x1;
	p0 =	seq.s32 s7, s2  }
0x1e: {  	s7 =	smul.u32 @!p0 $0xF7A, s2;
	p2 =	seq.s32 @!p0 s5, $0x0  }
0x1f: {  	s9 =	smul.u32 $0xF7A, s1;
	s8 =	simm.s32 @!p0 $0x1BF5;
	p2 =	por !p2, p0  }
0x20: {  	[sflag:s8] =	ssyncset.s32 @!p0 $0xFFFFF086;
	s6 =	sadd.s32 @!p0 s3, s7;
	s7 =	simm.s32 @!p0 $0x108  }
0x21: {  	s3 =	sadd.s32 s3, s9;
	s6 =	sadd.s32 @!p0 $0x88, s6;
	s7 =	simm.s32 @p2 $0x1082  }
0x22: {  	[simem:s7], [sflag:s8] =	dma.local @!p0 [hbm:s6], $0xF7A  }
0x23: {  	s9 =	sor.u32 $0xD0000000, s2;
	s6 =	simm.s32 $0x108;
	_ =	swait.ge @!p0 [sflag:s8], $0x0  }
0x24: {  	s3 =	sadd.s32 $0x88, s3;
	s6 =	simm.s32 @!p1 $0x1082;
	[sflag:s4] =	ssyncset.s32 $0xFFFFF086  }
0x25: {  	[simem:s6], [sflag:s4] =	dma.local [hbm:s3], $0xF7A  }
0x26: {  	[smem:$0x3F9B] =	sst s1;
	(tag) =	ssettag s2;
	_ =	strace s9  }
0x27: {  	s1 =	sld [smem:$0x3FAB]  }
0x28: {  	s2 =	sld [smem:$0x3FAC]  }
0x29: {  	s4 =	sld [smem:$0x3FAE]  }
0x2a: {  	p0 =	seq.s32 s5, $0x0;
	s5 =	sld [smem:$0x3FAF]  }
0x2b: {  	s6 =	sld [smem:$0x3FB0]  }
0x2c: {  	s7 =	sld [smem:$0x3FB1]  }
0x2d: {  	s3 =	simm.s32 $0x108;
	s8 =	sld [smem:$0x3FB2]  }
0x2e: {  	s3 =	simm.s32 @!p0 $0x1082;
	s9 =	sld [smem:$0x3FB3]  }
0x2f: {  	lr =	sadd.s32 s0, s3;
	s0 =	sld [smem:$0x3FAA]  }
0x30: {  	s3 =	sld [smem:$0x3FAD]  }
0x31: {  	[smem:$0x3FB6] =	sst s10  }
0x32: {  	s10 =	sld [smem:$0x3FB4];
	_ =	sdelay $0x3  }
0x33: {  	p0 =	seq.s32 s10, $0x1;
	s10 =	sld [smem:$0x3FB6];
	_ =	sdelay $0x3  }
0x34: {  	[smem:$0x3FB6] =	sst s10  }
0x35: {  	s10 =	sld [smem:$0x3FB5];
	_ =	sdelay $0x3  }
0x36: {  	p1 =	seq.s32 s10, $0x1;
	s10 =	sld [smem:$0x3FB6];
	_ =	sdelay $0x3  }
0x37: {  	[smem:$0x3FB6] =	sst s10  }
0x38: {  	s10 =	sld [smem:$0x3FB7]  }
0x39: {  	_ = 	snop;
	(pc) =	sbr.ind lr, $3  }
0x3a: {  	_ = 	snop  }
0x3b: {  	_ = 	snop  }
0x3c: {  	p2 =	seq.s32 s10, $0x1;
	s10 =	sld [smem:$0x3FB6]  }
0x3d: {  	_ =	shalt  }
0x3e: {  	_ =	shalt  }
0x3f: {  	_ =	shalt  }
0x40: {  	_ =	shalt  }
0x41: {  	_ =	shalt  }
0x42: {  	_ =	shalt  }
0x43: {  	_ =	shalt  }
0x44: {  	_ =	shalt  }
0x45: {  	_ =	shalt  }
0x46: {  	_ =	shalt  }
0x47: {  	_ =	shalt  }
0x48: {  	_ =	shalt  }
0x49: {  	_ =	shalt  }
0x4a: {  	_ =	shalt  }
0x4b: {  	_ =	shalt  }
0x4c: {  	_ =	shalt  }
0x4d: {  	_ =	shalt  }
0x4e: {  	_ =	shalt  }
0x4f: {  	_ =	shalt  }
0x50: {  	_ =	shalt  }
0x51: {  	_ =	shalt  }
0x52: {  	_ =	shalt  }
0x53: {  	_ =	shalt  }
0x54: {  	_ =	shalt  }
0x55: {  	_ =	shalt  }
0x56: {  	_ =	shalt  }
0x57: {  	_ =	shalt  }
0x58: {  	_ =	shalt  }
0x59: {  	_ =	shalt  }
0x5a: {  	_ =	shalt  }
0x5b: {  	_ =	shalt  }
0x5c: {  	_ =	shalt  }
0x5d: {  	_ =	shalt  }
0x5e: {  	_ =	shalt  }
0x5f: {  	_ =	shalt  }
0x60: {  	_ =	shalt  }
0x61: {  	_ =	shalt  }
0x62: {  	_ =	shalt  }
0x63: {  	_ =	shalt  }
0x64: {  	_ =	shalt  }
0x65: {  	_ =	shalt  }
0x66: {  	_ =	shalt  }
0x67: {  	_ =	shalt  }
0x68: {  	_ =	shalt  }
0x69: {  	_ =	shalt  }
0x6a: {  	_ =	shalt  }
0x6b: {  	_ =	shalt  }
0x6c: {  	_ =	shalt  }
0x6d: {  	_ =	shalt  }
0x6e: {  	_ =	shalt  }
0x6f: {  	_ =	shalt  }
0x70: {  	_ =	shalt  }
0x71: {  	_ =	shalt  }
0x72: {  	_ =	shalt  }
0x73: {  	_ =	shalt  }
0x74: {  	_ =	shalt  }
0x75: {  	_ =	shalt  }
0x76: {  	_ =	shalt  }
0x77: {  	_ =	shalt  }
0x78: {  	_ =	shalt  }
0x79: {  	_ =	shalt  }
0x7a: {  	_ =	shalt  }
0x7b: {  	_ =	shalt  }
0x7c: {  	_ =	shalt  }
0x7d: {  	_ =	shalt  }
0x7e: {  	_ =	shalt  }
0x7f: {  	_ =	shalt  }
0x80: {  	_ =	shalt  }
0x81: {  	_ =	shalt  }
0x82: {  	_ =	shalt  }
0x83: {  	_ =	shalt  }
0x84: {  	_ =	shalt  }
0x85: {  	_ =	shalt  }
0x86: {  	_ =	shalt  }
0x87: {  	_ =	shalt  }
.Lfunc_end0:
.L_simem_size_0:
called_computation_lowered:
.L_overlay_start_0:
0x88: {  	s2 =	sld [smem:$0x3FD9]  }
0x89: {  	s3 =	sld [smem:$0x3FFE];
	_ =	sdelay $0x1  }
0x8a: {  	s1 =	srdreg.scid  }
0x8b: {  	s0 =	sand.u32 $0x1, s1  }
0x8c: {  	s17 =	sshll.u32 s0, $0xA;
	s2 =	sadd.s32 s3, s2  }
0x8d: {  	s2 =	sadd.s32 s2, s17  }
0x8e: {  	[smem:$0x3FC2] =	sst s2  }
0x8f: {  	_ = 	snop  }
0x90: {  	s2 =	sld [smem:$0x3FD0];
	(tm) =	ssettm $0x1  }
0x91: {  	s18 =	sld [smem:$0x3FFB];
	_ =	sdelay $0x3  }
0x92: {  	_ =	strace s18  }
0x93: {  	s3 =	sld [smem:$0x3FFC];
	_ =	sdelay $0x3  }
0x94: {  	_ =	strace s3  }
0x95: {  	s3 =	sld [smem:$0x3FFD];
	_ =	sdelay $0x3  }
0x96: {  	_ =	strace s3  }
0x97: {  	_ =	strace $0x8FFFFFFF  }
0x98: {  	s19 =	sld [smem:$0x3FDB];
	_ =	sdelay $0x1  }
0x99: {  	s4 =	simm.s32 $_scs_section_size  }
0x9a: {  	s5 =	simm.s32 $_size__tile_overlayer_lowered;
	s6 =	simm.s32 $_tile_overlayer_lowered  }
0x9b: {  	s22 =	simm.s32 $0x1BFF;
	s21 =	sshll.u32 s6, $0x1;
	s3 =	sadd.s32 s4, s19  }
0x9c: {  	s7 =	simm.s32 $0x0;
	s20 =	sshll.u32 s5, $0x1;
	s5 =	sadd.s32 s21, s3  }
0x9d: {  	[timem:s7], [sflag:s22] =	dma.local [hbm:s5], s20  }
0x9e: {  	_ =	swait.ge [sflag:s22], s20  }
0x9f: {  	s4 =	ssub.s32 $0x0, s20;
	[sflag:s22] =	ssyncset.done $0x0  }
0xa0: {  	[sflag:s22] =	ssyncadd.s32 s4;
	_ =	sdelay $0x1  }
0xa1: {  	s23 =	simm.s32 $0x1B8B  }
0xa2: {  	_ =	swait.ge [sflag:s23], $0x1  }
0xa3: {  	[sflag:s23] =	ssyncset.done $0x0  }
0xa4: {  	s25 =	simm.s32 $0x1B8E;
	s24 =	sld [smem:$0x3FFE];
	[sflag:s23] =	ssyncadd.s32 $0xFFFFFFFF  }
0xa5: {  	s26 =	simm.s32 $execute0_lowered;
	[smem:$0x3FD2] =	sst s25  }
0xa6: {  	s5 =	sshll.u32 s26, $0x1;
	_ =	strace $0x80000046;
	[dreg:$0x1] =	wrdreg $0xFFFFFFFF  }
0xa7: {  	s28 =	simm.s32 $_size_execute0_lowered;
	s3 =	sadd.s32 s3, s5;
	[dreg:$0x0] =	wrdreg $0x0  }
0xa8: {  	s5 =	sshll.u32 s28, $0x1;
	[dreg:$0x2] =	wrdreg s3  }
0xa9: {  	[dreg:$0x3] =	wrdreg s5  }
0xaa: {  	[dreg:$0x4] =	wrdreg $0xC0  }
0xab: {  	_ =	task [dreg:s7], $0x5FFFF  }
0xac: {  	[dreg:$0x1] =	wrdreg $0xFFFFFFFF  }
0xad: {  	[dreg:$0x0] =	wrdreg $0x60  }
0xae: {  	[dreg:$0x2] =	wrdreg s24  }
0xaf: {  	[dreg:$0x3] =	wrdreg s2  }
0xb0: {  	[dreg:$0x4] =	wrdreg $0x55000  }
0xb1: {  	[dreg:$0x5] =	wrdreg $0x9  }
0xb2: {  	_ =	task.clear_ibuf [dreg:s7], $0x6FFFF;
	_ =	strace $0x90000046  }
0xb3: {  	s29 =	simm.s32 $0x9;
	_ =	strace $0x80000048  }
0xb4: {  	_ =	swait.ge [sflag:s29], $0x1  }
0xb5: {  	[sflag:s29] =	ssyncadd.s32 $0xFFFFFFFF  }
0xb6: {  	_ =	strace $0x90000048  }
0xb7: {  	_ =	sfence  }
0xb8: {  	s30 =	sld [smem:$0x0];
	_ =	sdelay $0x2  }
0xb9: {  	s31 =	sshll.u32 s1, $0xD;
	s1 =	sshrl.u32 s1, $0x2  }
0xba: {  	s3 =	sand.u32 $0x4000, s31;
	s1 =	sadd.s32 s1, s30  }
0xbb: {  	s0 =	sor.u32 s3, s0;
	s1 =	sshll.u32 s1, $0x11  }
0xbc: {  	s0 =	sor.u32 s1, s0  }
0xbd: {  	s0 =	sadd.s32 $0x8F2B, s0  }
0xbe: {  	[sflag:s0] =	ssyncadd.remote.s32 $0x1  }
0xbf: {  	_ =	sfence.sel $0xFFFF  }
0xc0: {  	[dreg:$0x0] =	wrdreg $0xFFFFFFFF;
	(pc) =	sbr.abs _section_cstart, $3  }
0xc1: {  	[dreg:$0x1] =	wrdreg $0xFFFFFFFF  }
0xc2: {  	_ =	task.clear_ibuf [dreg:s7], $0x2FFFF;
	_ =	strace $0x9FFFFFFF  }
0xc3: {  	(tm) =	ssettm $0x7FFFFFFF  }
tec
execute0_lowered:
.L_overlay_start_1:
0x0: {  	(tag) =	ssettag $0x1  }
0x1: {  	s0 =	rddreg [dreg:$0x0]  }
0x2: {  	s1 =	srdreg.scid;
	s22 =	rddreg [dreg:$0x1]  }
0x3: {  	s6 =	rddreg [dreg:$0x2];
	s9 =	stileid.u32;
	s2 =	simm.s32 $0x0  }
0x4: {  	s28 =	simm.s32 $0x400;
	s29 =	simm.s32 $0x5000;
	s30 =	simm.s32 $0x5280  }
0x5: {  	s31 =	simm.s32 $0x0;
	s1 =	sand.u32 $0x1, s1;
	s25 =	smul.u32 $0x5000, s9  }
0x6: {  	[smem:$0x7FF] =	sst s2;
	s5 =	sshrl.u32 s9, $0x3;
	s20 =	smul.u32 $0x280, s9  }
0x7: {  	s26 =	sshll.u32 s9, $0x7;
	s3 =	sshll.u32 s1, $0x4;
	s5 =	smul.u32 $0x50000, s5  }
0x8: {  	s4 =	ssub.s32 $0x2, s1;
	s1 =	smul.u32 $0x2800, s1;
	s3 =	sor.u32 s9, s3  }
0x9: {  	_ =	strace $0x80000047;
	s8 =	sshrl.u32 s4, $0x1;
	s3 =	smul.u32 $0x500, s3  }
0xa: {  	s24 =	ssub.s32 s4, s8;
	s5 =	sshrl.u32 s5, $0x2;
	s8 =	sshrl.u32 s25, $0x2  }
0xb: {  	s1 =	sadd.s32 s20, s1;
	s25 =	simm.s32 $0x2800;
	s5 =	sadd.s32 s5, s6  }
0xc: {  	s6 =	sadd.s32 s8, s6;
	s1 =	sshrl.u32 s1, $0x3;
	s23 =	smax.u32 s24, $0x1  }
0xd: {  	s24 =	simm.s32 $0x1;
	s7 =	sadd.s32 s3, s0;
	s0 =	sadd.s32 $0xC800, s0  }
0xe: {  	s8 =	sadd.s32 $0x100, s6;
	s9 =	sadd.s32 $0x180, s6;
	s10 =	sadd.s32 $0x200, s6  }
0xf: {  	s11 =	sadd.s32 $0x280, s6;
	s12 =	sadd.s32 $0x300, s6;
	s13 =	sadd.s32 $0x380, s6  }
0x10: {  	s14 =	sadd.s32 $0x14000, s6;
	s15 =	sadd.s32 $0x14080, s6;
	s16 =	sadd.s32 $0x14100, s6  }
0x11: {  	s17 =	sadd.s32 $0x14180, s6;
	s18 =	sadd.s32 $0x14200, s6;
	s19 =	sadd.s32 $0x14280, s6  }
0x12: {  	s20 =	sadd.s32 $0x14300, s6;
	s21 =	sadd.s32 $0x14380, s6;
	s22 =	sadd.s32 s22, s1  }
0x13: {  	[dreg:$0x4] =	wrdreg s0;
	s4 =	sadd.s32 $0x2800, s7;
	s7 =	sand.u32 $0x380, s26  }
0x14: {  	v0 =	vimm.f32 $1.000000000e+00;
	s26 =	simm.s32 $0x80;
	s5 =	sadd.s32 s7, s5;
	s7 =	sadd.s32 $0x80, s6  }
.LBB2_1:
0x15: {  	[tilespmem:s2], [sflag:$0x1] =	stream.linear.gather [hbm4b:s4+s2], $0x2780, $0x38;
	[tilespmem:$0x7D00] =	vst v63  }
0x16: {  	_ =	swait.ge [sflag:s24], $0x2780  }
0x17: {  	[sflag:s24] =	ssyncset.done $0x0  }
0x18: {  	s0 =	rddreg [dreg:$0x4];
	[sflag:s24] =	ssyncadd.s32 $0xFFFFD880  }
0x19: {  	[tilespmem:s25], [sflag:$0x1] =	stream.linear.gather [hbm4b:s0+s2], $0x2800, $0x38;
	[tilespmem:$0x7D00] =	vst v63  }
0x1a: {  	_ =	swait.ge [sflag:s24], $0x2800  }
0x1b: {  	[sflag:s24] =	ssyncset.done $0x0  }
0x1c: {  	s0 =	simm.s32 $0x0;
	[sflag:s24] =	ssyncadd.s32 $0xFFFFD800  }
.LBB2_2:
0x1d: {  	s1 =	sshra.s32 s0, $0x2  }
0x1e: {  	v1 =	vld [tilespmem:s1+$0x0];
	_ =	sdelay $0x7  }
0x1f: {  	[tilespmem:v1+s25+$0x0] =	vst.idx.add.f32.msk $0xffff, v0  }
0x20: {  	v1 =	vld [tilespmem:s1+$0x10];
	_ =	sdelay $0x7  }
0x21: {  	[tilespmem:v1+s25+$0x0] =	vst.idx.add.f32.msk $0xffff, v0  }
0x22: {  	v1 =	vld [tilespmem:s1+$0x20];
	_ =	sdelay $0x7  }
0x23: {  	[tilespmem:v1+s25+$0x0] =	vst.idx.add.f32.msk $0xffff, v0  }
0x24: {  	v1 =	vld [tilespmem:s1+$0x30];
	_ =	sdelay $0x7  }
0x25: {  	[tilespmem:v1+s25+$0x0] =	vst.idx.add.f32.msk $0xffff, v0  }
0x26: {  	v1 =	vld [tilespmem:s1+$0x40];
	_ =	sdelay $0x7  }
0x27: {  	[tilespmem:v1+s25+$0x0] =	vst.idx.add.f32.msk $0xffff, v0  }
0x28: {  	v1 =	vld [tilespmem:s1+$0x50];
	_ =	sdelay $0x7  }
0x29: {  	[tilespmem:v1+s25+$0x0] =	vst.idx.add.f32.msk $0xffff, v0  }
0x2a: {  	v1 =	vld [tilespmem:s1+$0x60];
	_ =	sdelay $0x7  }
0x2b: {  	[tilespmem:v1+s25+$0x0] =	vst.idx.add.f32.msk $0xffff, v0  }
0x2c: {  	v1 =	vld [tilespmem:s1+$0x70];
	_ =	sdelay $0x2  }
0x2d: {  	p0 =	sne.s32 s0, $0x9C00  }
.Ltmp0:
0x2e: {  	_ = 	snop;
	(pc) =	sbr.rel @p0 .LBB2_2-.Ltmp0, $2  }
0x2f: {  	_ =	sdelay $0x2  }
0x30: {  	s0 =	sadd.s32 $0x200, s0;
	[tilespmem:v1+s25+$0x0] =	vst.idx.add.f32.msk $0xffff, v0  }
0x31: {  	[spmem:s5] =	stream.strided.scatter [tilespmem:s25], [sflag:$0x1], $0x2800, s28, s26, $0x38;
	[tilespmem:$0x7D00] =	vst v63  }
0x32: {  	_ =	swait.ge [sflag:s24], $0x2800  }
0x33: {  	[sflag:s24] =	ssyncset.done $0x0  }
0x34: {  	[sflag:s24] =	ssyncadd.s32 $0xFFFFD800  }
0x35: {  	[bflag:$0x0] =	sbarrier.arrive $0xFFFF  }
0x36: {  	[tilespmem:s29], [sflag:$0x1] =	stream.strided.gather [spmem:s6], $0x280, s28, s26, $0x38;
	[tilespmem:$0x7D00] =	vst v63  }
0x37: {  	_ =	swait.ge [sflag:s24], $0x280  }
0x38: {  	[sflag:s24] =	ssyncset.done $0x0  }
0x39: {  	[sflag:s24] =	ssyncadd.s32 $0xFFFFFD80  }
0x3a: {  	[tilespmem:s30], [sflag:$0x1] =	stream.strided.gather [spmem:s7], $0x280, s28, s26, $0x38;
	[tilespmem:$0x7D00] =	vst v63  }
0x3b: {  	_ =	swait.ge [sflag:s24], $0x280  }
0x3c: {  	[sflag:s24] =	ssyncset.done $0x0  }
0x3d: {  	s0 =	simm.s32 $0x0;
	[sflag:s24] =	ssyncadd.s32 $0xFFFFFD80  }
0x3e: {  	s1 =	simm.s32 $0x40;
	v1 =	vld [tilespmem:s0+$0x5280]  }
.LBB2_4:
0x3f: {  	p0 =	sne.s32 s1, $0x9C0;
	v2 =	vld [tilespmem:s0+$0x5000];
	_ =	sdelay $0x2  }
.Ltmp1:
0x40: {  	(pc) =	sbr.rel @p0 .LBB2_4-.Ltmp1, $4  }
0x41: {  	_ = 	snop  }
0x42: {  	v2 =	vadd.f32 v1, v2  }
0x43: {  	s3 =	sshra.s32 s1, $0x2  }
0x44: {  	s1 =	sadd.s32 $0x40, s1;
	v1 =	vld [tilespmem:s3+$0x5280];
	[tilespmem:s0+$0x5000] =	vst v2;
	s0 =	smov.u32 s3  }
0x45: {  	v2 =	vld [tilespmem:s0+$0x5000];
	_ =	sdelay $0x4  }
0x46: {  	v1 =	vadd.f32 v1, v2;
	_ =	sdelay $0x1  }
0x47: {  	[tilespmem:s0+$0x5000] =	vst v1  }
0x48: {  	[tilespmem:s30], [sflag:$0x1] =	stream.strided.gather [spmem:s8], $0x280, s28, s26, $0x38;
	[tilespmem:$0x7D00] =	vst v63  }
0x49: {  	_ =	swait.ge [sflag:s24], $0x280  }
0x4a: {  	[sflag:s24] =	ssyncset.done $0x0  }
0x4b: {  	s0 =	simm.s32 $0x0;
	[sflag:s24] =	ssyncadd.s32 $0xFFFFFD80  }
0x4c: {  	s1 =	simm.s32 $0x40;
	v1 =	vld [tilespmem:s0+$0x5280]  }
.LBB2_6:
0x4d: {  	p0 =	sne.s32 s1, $0x9C0;
	v2 =	vld [tilespmem:s0+$0x5000];
	_ =	sdelay $0x2  }
.Ltmp2:
0x4e: {  	(pc) =	sbr.rel @p0 .LBB2_6-.Ltmp2, $4  }
0x4f: {  	_ = 	snop  }
0x50: {  	v2 =	vadd.f32 v1, v2  }
0x51: {  	s3 =	sshra.s32 s1, $0x2  }
0x52: {  	s1 =	sadd.s32 $0x40, s1;
	v1 =	vld [tilespmem:s3+$0x5280];
	[tilespmem:s0+$0x5000] =	vst v2;
	s0 =	smov.u32 s3  }
0x53: {  	v2 =	vld [tilespmem:s0+$0x5000];
	_ =	sdelay $0x4  }
0x54: {  	v1 =	vadd.f32 v1, v2;
	_ =	sdelay $0x1  }
0x55: {  	[tilespmem:s0+$0x5000] =	vst v1  }
0x56: {  	[tilespmem:s30], [sflag:$0x1] =	stream.strided.gather [spmem:s9], $0x280, s28, s26, $0x38;
	[tilespmem:$0x7D00] =	vst v63  }
0x57: {  	_ =	swait.ge [sflag:s24], $0x280  }
0x58: {  	[sflag:s24] =	ssyncset.done $0x0  }
0x59: {  	s0 =	simm.s32 $0x0;
	[sflag:s24] =	ssyncadd.s32 $0xFFFFFD80  }
0x5a: {  	s1 =	simm.s32 $0x40;
	v1 =	vld [tilespmem:s0+$0x5280]  }
.LBB2_8:
0x5b: {  	p0 =	sne.s32 s1, $0x9C0;
	v2 =	vld [tilespmem:s0+$0x5000];
	_ =	sdelay $0x2  }
.Ltmp3:
0x5c: {  	(pc) =	sbr.rel @p0 .LBB2_8-.Ltmp3, $4  }
0x5d: {  	_ = 	snop  }
0x5e: {  	v2 =	vadd.f32 v1, v2  }
0x5f: {  	s3 =	sshra.s32 s1, $0x2  }
0x60: {  	s1 =	sadd.s32 $0x40, s1;
	v1 =	vld [tilespmem:s3+$0x5280];
	[tilespmem:s0+$0x5000] =	vst v2;
	s0 =	smov.u32 s3  }
0x61: {  	v2 =	vld [tilespmem:s0+$0x5000];
	_ =	sdelay $0x4  }
0x62: {  	v1 =	vadd.f32 v1, v2;
	_ =	sdelay $0x1  }
0x63: {  	[tilespmem:s0+$0x5000] =	vst v1  }
0x64: {  	[tilespmem:s30], [sflag:$0x1] =	stream.strided.gather [spmem:s10], $0x280, s28, s26, $0x38;
	[tilespmem:$0x7D00] =	vst v63  }
0x65: {  	_ =	swait.ge [sflag:s24], $0x280  }
0x66: {  	[sflag:s24] =	ssyncset.done $0x0  }
0x67: {  	s0 =	simm.s32 $0x0;
	[sflag:s24] =	ssyncadd.s32 $0xFFFFFD80  }
0x68: {  	s1 =	simm.s32 $0x40;
	v1 =	vld [tilespmem:s0+$0x5280]  }
.LBB2_10:
0x69: {  	p0 =	sne.s32 s1, $0x9C0;
	v2 =	vld [tilespmem:s0+$0x5000];
	_ =	sdelay $0x2  }
.Ltmp4:
0x6a: {  	(pc) =	sbr.rel @p0 .LBB2_10-.Ltmp4, $4  }
0x6b: {  	_ = 	snop  }
0x6c: {  	v2 =	vadd.f32 v1, v2  }
0x6d: {  	s3 =	sshra.s32 s1, $0x2  }
0x6e: {  	s1 =	sadd.s32 $0x40, s1;
	v1 =	vld [tilespmem:s3+$0x5280];
	[tilespmem:s0+$0x5000] =	vst v2;
	s0 =	smov.u32 s3  }
0x6f: {  	v2 =	vld [tilespmem:s0+$0x5000];
	_ =	sdelay $0x4  }
0x70: {  	v1 =	vadd.f32 v1, v2;
	_ =	sdelay $0x1  }
0x71: {  	[tilespmem:s0+$0x5000] =	vst v1  }
0x72: {  	[tilespmem:s30], [sflag:$0x1] =	stream.strided.gather [spmem:s11], $0x280, s28, s26, $0x38;
	[tilespmem:$0x7D00] =	vst v63  }
0x73: {  	_ =	swait.ge [sflag:s24], $0x280  }
0x74: {  	[sflag:s24] =	ssyncset.done $0x0  }
0x75: {  	s0 =	simm.s32 $0x0;
	[sflag:s24] =	ssyncadd.s32 $0xFFFFFD80  }
0x76: {  	s1 =	simm.s32 $0x40;
	v1 =	vld [tilespmem:s0+$0x5280]  }
.LBB2_12:
0x77: {  	p0 =	sne.s32 s1, $0x9C0;
	v2 =	vld [tilespmem:s0+$0x5000];
	_ =	sdelay $0x2  }
.Ltmp5:
0x78: {  	(pc) =	sbr.rel @p0 .LBB2_12-.Ltmp5, $4  }
0x79: {  	_ = 	snop  }
0x7a: {  	v2 =	vadd.f32 v1, v2  }
0x7b: {  	s3 =	sshra.s32 s1, $0x2  }
0x7c: {  	s1 =	sadd.s32 $0x40, s1;
	v1 =	vld [tilespmem:s3+$0x5280];
	[tilespmem:s0+$0x5000] =	vst v2;
	s0 =	smov.u32 s3  }
0x7d: {  	v2 =	vld [tilespmem:s0+$0x5000];
	_ =	sdelay $0x4  }
0x7e: {  	v1 =	vadd.f32 v1, v2;
	_ =	sdelay $0x1  }
0x7f: {  	[tilespmem:s0+$0x5000] =	vst v1  }
0x80: {  	[tilespmem:s30], [sflag:$0x1] =	stream.strided.gather [spmem:s12], $0x280, s28, s26, $0x38;
	[tilespmem:$0x7D00] =	vst v63  }
0x81: {  	_ =	swait.ge [sflag:s24], $0x280  }
0x82: {  	[sflag:s24] =	ssyncset.done $0x0  }
0x83: {  	s0 =	simm.s32 $0x0;
	[sflag:s24] =	ssyncadd.s32 $0xFFFFFD80  }
0x84: {  	s1 =	simm.s32 $0x40;
	v1 =	vld [tilespmem:s0+$0x5280]  }
.LBB2_14:
0x85: {  	p0 =	sne.s32 s1, $0x9C0;
	v2 =	vld [tilespmem:s0+$0x5000];
	_ =	sdelay $0x2  }
.Ltmp6:
0x86: {  	(pc) =	sbr.rel @p0 .LBB2_14-.Ltmp6, $4  }
0x87: {  	_ = 	snop  }
0x88: {  	v2 =	vadd.f32 v1, v2  }
0x89: {  	s3 =	sshra.s32 s1, $0x2  }
0x8a: {  	s1 =	sadd.s32 $0x40, s1;
	v1 =	vld [tilespmem:s3+$0x5280];
	[tilespmem:s0+$0x5000] =	vst v2;
	s0 =	smov.u32 s3  }
0x8b: {  	v2 =	vld [tilespmem:s0+$0x5000];
	_ =	sdelay $0x4  }
0x8c: {  	v1 =	vadd.f32 v1, v2;
	_ =	sdelay $0x1  }
0x8d: {  	[tilespmem:s0+$0x5000] =	vst v1  }
0x8e: {  	[tilespmem:s30], [sflag:$0x1] =	stream.strided.gather [spmem:s13], $0x280, s28, s26, $0x38;
	[tilespmem:$0x7D00] =	vst v63  }
0x8f: {  	_ =	swait.ge [sflag:s24], $0x280  }
0x90: {  	[sflag:s24] =	ssyncset.done $0x0  }
0x91: {  	s0 =	simm.s32 $0x0;
	[sflag:s24] =	ssyncadd.s32 $0xFFFFFD80  }
0x92: {  	s1 =	simm.s32 $0x40;
	v1 =	vld [tilespmem:s0+$0x5280]  }
.LBB2_16:
0x93: {  	p0 =	sne.s32 s1, $0x9C0;
	v2 =	vld [tilespmem:s0+$0x5000];
	_ =	sdelay $0x2  }
.Ltmp7:
0x94: {  	(pc) =	sbr.rel @p0 .LBB2_16-.Ltmp7, $4  }
0x95: {  	_ = 	snop  }
0x96: {  	v2 =	vadd.f32 v1, v2  }
0x97: {  	s3 =	sshra.s32 s1, $0x2  }
0x98: {  	s1 =	sadd.s32 $0x40, s1;
	v1 =	vld [tilespmem:s3+$0x5280];
	[tilespmem:s0+$0x5000] =	vst v2;
	s0 =	smov.u32 s3  }
0x99: {  	v2 =	vld [tilespmem:s0+$0x5000];
	_ =	sdelay $0x4  }
0x9a: {  	v1 =	vadd.f32 v1, v2;
	_ =	sdelay $0x1  }
0x9b: {  	[tilespmem:s0+$0x5000] =	vst v1  }
0x9c: {  	[tilespmem:s30], [sflag:$0x1] =	stream.strided.gather [spmem:s14], $0x280, s28, s26, $0x38;
	[tilespmem:$0x7D00] =	vst v63  }
0x9d: {  	_ =	swait.ge [sflag:s24], $0x280  }
0x9e: {  	[sflag:s24] =	ssyncset.done $0x0  }
0x9f: {  	s0 =	simm.s32 $0x0;
	[sflag:s24] =	ssyncadd.s32 $0xFFFFFD80  }
0xa0: {  	s1 =	simm.s32 $0x40;
	v1 =	vld [tilespmem:s0+$0x5280]  }
.LBB2_18:
0xa1: {  	p0 =	sne.s32 s1, $0x9C0;
	v2 =	vld [tilespmem:s0+$0x5000];
	_ =	sdelay $0x2  }
.Ltmp8:
0xa2: {  	(pc) =	sbr.rel @p0 .LBB2_18-.Ltmp8, $4  }
0xa3: {  	_ = 	snop  }
0xa4: {  	v2 =	vadd.f32 v1, v2  }
0xa5: {  	s3 =	sshra.s32 s1, $0x2  }
0xa6: {  	s1 =	sadd.s32 $0x40, s1;
	v1 =	vld [tilespmem:s3+$0x5280];
	[tilespmem:s0+$0x5000] =	vst v2;
	s0 =	smov.u32 s3  }
0xa7: {  	v2 =	vld [tilespmem:s0+$0x5000];
	_ =	sdelay $0x4  }
0xa8: {  	v1 =	vadd.f32 v1, v2;
	_ =	sdelay $0x1  }
0xa9: {  	[tilespmem:s0+$0x5000] =	vst v1  }
0xaa: {  	[tilespmem:s30], [sflag:$0x1] =	stream.strided.gather [spmem:s15], $0x280, s28, s26, $0x38;
	[tilespmem:$0x7D00] =	vst v63  }
0xab: {  	_ =	swait.ge [sflag:s24], $0x280  }
0xac: {  	[sflag:s24] =	ssyncset.done $0x0  }
0xad: {  	s0 =	simm.s32 $0x0;
	[sflag:s24] =	ssyncadd.s32 $0xFFFFFD80  }
0xae: {  	s1 =	simm.s32 $0x40;
	v1 =	vld [tilespmem:s0+$0x5280]  }
.LBB2_20:
0xaf: {  	p0 =	sne.s32 s1, $0x9C0;
	v2 =	vld [tilespmem:s0+$0x5000];
	_ =	sdelay $0x2  }
.Ltmp9:
0xb0: {  	(pc) =	sbr.rel @p0 .LBB2_20-.Ltmp9, $4  }
0xb1: {  	_ = 	snop  }
0xb2: {  	v2 =	vadd.f32 v1, v2  }
0xb3: {  	s3 =	sshra.s32 s1, $0x2  }
0xb4: {  	s1 =	sadd.s32 $0x40, s1;
	v1 =	vld [tilespmem:s3+$0x5280];
	[tilespmem:s0+$0x5000] =	vst v2;
	s0 =	smov.u32 s3  }
0xb5: {  	v2 =	vld [tilespmem:s0+$0x5000];
	_ =	sdelay $0x4  }
0xb6: {  	v1 =	vadd.f32 v1, v2;
	_ =	sdelay $0x1  }
0xb7: {  	[tilespmem:s0+$0x5000] =	vst v1  }
0xb8: {  	[tilespmem:s30], [sflag:$0x1] =	stream.strided.gather [spmem:s16], $0x280, s28, s26, $0x38;
	[tilespmem:$0x7D00] =	vst v63  }
0xb9: {  	_ =	swait.ge [sflag:s24], $0x280  }
0xba: {  	[sflag:s24] =	ssyncset.done $0x0  }
0xbb: {  	s0 =	simm.s32 $0x0;
	[sflag:s24] =	ssyncadd.s32 $0xFFFFFD80  }
0xbc: {  	s1 =	simm.s32 $0x40;
	v1 =	vld [tilespmem:s0+$0x5280]  }
.LBB2_22:
0xbd: {  	p0 =	sne.s32 s1, $0x9C0;
	v2 =	vld [tilespmem:s0+$0x5000];
	_ =	sdelay $0x2  }
.Ltmp10:
0xbe: {  	(pc) =	sbr.rel @p0 .LBB2_22-.Ltmp10, $4  }
0xbf: {  	_ = 	snop  }
0xc0: {  	v2 =	vadd.f32 v1, v2  }
0xc1: {  	s3 =	sshra.s32 s1, $0x2  }
0xc2: {  	s1 =	sadd.s32 $0x40, s1;
	v1 =	vld [tilespmem:s3+$0x5280];
	[tilespmem:s0+$0x5000] =	vst v2;
	s0 =	smov.u32 s3  }
0xc3: {  	v2 =	vld [tilespmem:s0+$0x5000];
	_ =	sdelay $0x4  }
0xc4: {  	v1 =	vadd.f32 v1, v2;
	_ =	sdelay $0x1  }
0xc5: {  	[tilespmem:s0+$0x5000] =	vst v1  }
0xc6: {  	[tilespmem:s30], [sflag:$0x1] =	stream.strided.gather [spmem:s17], $0x280, s28, s26, $0x38;
	[tilespmem:$0x7D00] =	vst v63  }
0xc7: {  	_ =	swait.ge [sflag:s24], $0x280  }
0xc8: {  	[sflag:s24] =	ssyncset.done $0x0  }
0xc9: {  	s0 =	simm.s32 $0x0;
	[sflag:s24] =	ssyncadd.s32 $0xFFFFFD80  }
0xca: {  	s1 =	simm.s32 $0x40;
	v1 =	vld [tilespmem:s0+$0x5280]  }
.LBB2_24:
0xcb: {  	p0 =	sne.s32 s1, $0x9C0;
	v2 =	vld [tilespmem:s0+$0x5000];
	_ =	sdelay $0x2  }
.Ltmp11:
0xcc: {  	(pc) =	sbr.rel @p0 .LBB2_24-.Ltmp11, $4  }
0xcd: {  	_ = 	snop  }
0xce: {  	v2 =	vadd.f32 v1, v2  }
0xcf: {  	s3 =	sshra.s32 s1, $0x2  }
0xd0: {  	s1 =	sadd.s32 $0x40, s1;
	v1 =	vld [tilespmem:s3+$0x5280];
	[tilespmem:s0+$0x5000] =	vst v2;
	s0 =	smov.u32 s3  }
0xd1: {  	v2 =	vld [tilespmem:s0+$0x5000];
	_ =	sdelay $0x4  }
0xd2: {  	v1 =	vadd.f32 v1, v2;
	_ =	sdelay $0x1  }
0xd3: {  	[tilespmem:s0+$0x5000] =	vst v1  }
0xd4: {  	[tilespmem:s30], [sflag:$0x1] =	stream.strided.gather [spmem:s18], $0x280, s28, s26, $0x38;
	[tilespmem:$0x7D00] =	vst v63  }
0xd5: {  	_ =	swait.ge [sflag:s24], $0x280  }
0xd6: {  	[sflag:s24] =	ssyncset.done $0x0  }
0xd7: {  	s0 =	simm.s32 $0x0;
	[sflag:s24] =	ssyncadd.s32 $0xFFFFFD80  }
0xd8: {  	s1 =	simm.s32 $0x40;
	v1 =	vld [tilespmem:s0+$0x5280]  }
.LBB2_26:
0xd9: {  	p0 =	sne.s32 s1, $0x9C0;
	v2 =	vld [tilespmem:s0+$0x5000];
	_ =	sdelay $0x2  }
.Ltmp12:
0xda: {  	(pc) =	sbr.rel @p0 .LBB2_26-.Ltmp12, $4  }
0xdb: {  	_ = 	snop  }
0xdc: {  	v2 =	vadd.f32 v1, v2  }
0xdd: {  	s3 =	sshra.s32 s1, $0x2  }
0xde: {  	s1 =	sadd.s32 $0x40, s1;
	v1 =	vld [tilespmem:s3+$0x5280];
	[tilespmem:s0+$0x5000] =	vst v2;
	s0 =	smov.u32 s3  }
0xdf: {  	v2 =	vld [tilespmem:s0+$0x5000];
	_ =	sdelay $0x4  }
0xe0: {  	v1 =	vadd.f32 v1, v2;
	_ =	sdelay $0x1  }
0xe1: {  	[tilespmem:s0+$0x5000] =	vst v1  }
0xe2: {  	[tilespmem:s30], [sflag:$0x1] =	stream.strided.gather [spmem:s19], $0x280, s28, s26, $0x38;
	[tilespmem:$0x7D00] =	vst v63  }
0xe3: {  	_ =	swait.ge [sflag:s24], $0x280  }
0xe4: {  	[sflag:s24] =	ssyncset.done $0x0  }
0xe5: {  	s0 =	simm.s32 $0x0;
	[sflag:s24] =	ssyncadd.s32 $0xFFFFFD80  }
0xe6: {  	s1 =	simm.s32 $0x40;
	v1 =	vld [tilespmem:s0+$0x5280]  }
.LBB2_28:
0xe7: {  	p0 =	sne.s32 s1, $0x9C0;
	v2 =	vld [tilespmem:s0+$0x5000];
	_ =	sdelay $0x2  }
.Ltmp13:
0xe8: {  	(pc) =	sbr.rel @p0 .LBB2_28-.Ltmp13, $4  }
0xe9: {  	_ = 	snop  }
0xea: {  	v2 =	vadd.f32 v1, v2  }
0xeb: {  	s3 =	sshra.s32 s1, $0x2  }
0xec: {  	s1 =	sadd.s32 $0x40, s1;
	v1 =	vld [tilespmem:s3+$0x5280];
	[tilespmem:s0+$0x5000] =	vst v2;
	s0 =	smov.u32 s3  }
0xed: {  	v2 =	vld [tilespmem:s0+$0x5000];
	_ =	sdelay $0x4  }
0xee: {  	v1 =	vadd.f32 v1, v2;
	_ =	sdelay $0x1  }
0xef: {  	[tilespmem:s0+$0x5000] =	vst v1  }
0xf0: {  	[tilespmem:s30], [sflag:$0x1] =	stream.strided.gather [spmem:s20], $0x280, s28, s26, $0x38;
	[tilespmem:$0x7D00] =	vst v63  }
0xf1: {  	_ =	swait.ge [sflag:s24], $0x280  }
0xf2: {  	[sflag:s24] =	ssyncset.done $0x0  }
0xf3: {  	s0 =	simm.s32 $0x0;
	[sflag:s24] =	ssyncadd.s32 $0xFFFFFD80  }
0xf4: {  	s1 =	simm.s32 $0x40;
	v1 =	vld [tilespmem:s0+$0x5280]  }
.LBB2_30:
0xf5: {  	p0 =	sne.s32 s1, $0x9C0;
	v2 =	vld [tilespmem:s0+$0x5000];
	_ =	sdelay $0x2  }
.Ltmp14:
0xf6: {  	(pc) =	sbr.rel @p0 .LBB2_30-.Ltmp14, $4  }
0xf7: {  	_ = 	snop  }
0xf8: {  	v2 =	vadd.f32 v1, v2  }
0xf9: {  	s3 =	sshra.s32 s1, $0x2  }
0xfa: {  	s1 =	sadd.s32 $0x40, s1;
	v1 =	vld [tilespmem:s3+$0x5280];
	[tilespmem:s0+$0x5000] =	vst v2;
	s0 =	smov.u32 s3  }
0xfb: {  	v2 =	vld [tilespmem:s0+$0x5000];
	_ =	sdelay $0x4  }
0xfc: {  	v1 =	vadd.f32 v1, v2;
	_ =	sdelay $0x1  }
0xfd: {  	[tilespmem:s0+$0x5000] =	vst v1  }
0xfe: {  	[tilespmem:s30], [sflag:$0x1] =	stream.strided.gather [spmem:s21], $0x280, s28, s26, $0x38;
	[tilespmem:$0x7D00] =	vst v63  }
0xff: {  	_ =	swait.ge [sflag:s24], $0x280  }
0x100: {  	[sflag:s24] =	ssyncset.done $0x0  }
0x101: {  	s0 =	simm.s32 $0x0;
	[sflag:s24] =	ssyncadd.s32 $0xFFFFFD80  }
0x102: {  	s1 =	simm.s32 $0x40;
	v1 =	vld [tilespmem:s0+$0x5280]  }
.LBB2_32:
0x103: {  	p0 =	sne.s32 s1, $0x9C0;
	v2 =	vld [tilespmem:s0+$0x5000];
	_ =	sdelay $0x2  }
.Ltmp15:
0x104: {  	(pc) =	sbr.rel @p0 .LBB2_32-.Ltmp15, $4  }
0x105: {  	_ = 	snop  }
0x106: {  	v2 =	vadd.f32 v1, v2  }
0x107: {  	s3 =	sshra.s32 s1, $0x2  }
0x108: {  	s1 =	sadd.s32 $0x40, s1;
	v1 =	vld [tilespmem:s3+$0x5280];
	[tilespmem:s0+$0x5000] =	vst v2;
	s0 =	smov.u32 s3  }
0x109: {  	v2 =	vld [tilespmem:s0+$0x5000];
	_ =	sdelay $0x4  }
0x10a: {  	s31 =	sadd.s32 $0x1, s31;
	v1 =	vadd.f32 v1, v2  }
0x10b: {  	p0 =	sne.s32 s31, s23  }
.Ltmp16:
0x10c: {  	[tilespmem:s0+$0x5000] =	vst v1;
	(pc) =	sbr.rel @p0 .LBB2_1-.Ltmp16, $4  }
0x10d: {  	[hbm4b:s22+s2] =	stream.linear.scatter [tilespmem:s29], [sflag:$0x1], $0x280, $0x38;
	[tilespmem:$0x7D00] =	vst v63  }
0x10e: {  	_ =	swait.ge [sflag:s24], $0x280  }
0x10f: {  	[sflag:s24] =	ssyncset.done $0x0  }
0x110: {  	[sflag:s24] =	ssyncadd.s32 $0xFFFFFD80  }
0x111: {  	_ =	sfence.sel $0x180000  }
0x112: {  	[bflag:$0x0] =	sbarrier.arrive $0xFFFF  }
0x113: {  	_ =	strace $0x90000047  }
0x114: {  	s0 =	stileid.u32;
	[bflag:$0x2] =	sbarrier.arrive $0xFFFF  }
0x115: {  	p0 =	sne.s32 s0, $0x0;
	s0 =	rddreg [dreg:$0x3]  }
0x116: {  	s0 =	sadd.s32 @!p0 $0x100000, s0  }
0x117: {  	[sflag:s0] =	ssyncadd.tile.s32 @!p0 $0x1;
	_ =	shalt  }
.Lfunc_end2:
_tile_overlayer_lowered:
.L_overlay_start_2:
0x118: {  	(tag) =	ssettag $0x2  }
0x119: {  	s0 =	rddreg [dreg:$0x0];
	s2 =	stileid.u32  }
0x11a: {  	s1 =	rddreg [dreg:$0x1];
	p0 =	sne.s32 s2, $0x0  }
0x11b: {  	s3 =	rddreg [dreg:$0x2];
	[bflag:$0x3] =	sbarrier.arrive $0xFFFF;
	s2 =	simm.s32 @!p0 $0x1C01  }
0x11c: {  	[timem:s3], [sflag:s2] =	dma.local @!p0 [hbm:s0], s1  }
0x11d: {  	s0 =	simm.s32 @!p0 $0x1  }
0x11e: {  	_ =	swait.ge @!p0 [sflag:s0], s1  }
0x11f: {  	s1 =	ssub.s32 @!p0 $0x0, s1;
	[sflag:s0] =	ssyncset.done @!p0 $0x0  }
0x120: {  	[sflag:s0] =	ssyncadd.s32 @!p0 s1  }
0x121: {  	[bflag:$0x3] =	sbarrier.arrive $0xFFFF  }
0x122: {  	_ =	shalt  }

</sc_bundles>
